<compile_context>
chip_gen: v7x
topology: tpu7x:2x2x1
jax: 0.10.2.dev20260603
libtpu: 0.0.44.dev20260713+nightly
codegen_flags: <defaults>
</compile_context>

<pallas_src>
import functools

import jax
import jax.numpy as jnp
from jax import lax
from jax.experimental import pallas as pl
from jax.experimental.pallas import tpu as pltpu
from jax.experimental.pallas import tpu_sc as plsc

VOCAB = 1000000
D = 64
T = 16384
S = 50
SP = 56
DP = 128

_info = plsc.get_sparse_core_info()
NC, NS = _info.num_cores, _info.num_subcores
NW = NC * NS

ROWS_PER_W = T // NW
CROWS = 8
N_CHUNKS = ROWS_PER_W // CROWS
NBUF = 4


def _make_kernel():
    mesh = plsc.VectorSubcoreMesh(core_axis_name="c", subcore_axis_name="s")

    @functools.partial(
        pl.kernel,
        mesh=mesh,
        out_type=jax.ShapeDtypeStruct((T, SP, DP), jnp.float32),
        scratch_types=[
            [pltpu.VMEM((CROWS, S), jnp.int32) for _ in range(NBUF)],
            [pltpu.VMEM((CROWS, S, D), jnp.float32) for _ in range(NBUF)],
            [pltpu.SemaphoreType.DMA for _ in range(NBUF)],
            [pltpu.SemaphoreType.DMA for _ in range(NBUF)],
            [pltpu.SemaphoreType.DMA for _ in range(NBUF)],
        ],
        compiler_params=pltpu.CompilerParams(use_tc_tiling_on_sc=False),
    )
    def emb(tok_hbm, w_hbm, out_hbm, idx_v, rows_v, sem_g, sem_i, sem_o):
        wid = lax.axis_index("s") * NC + lax.axis_index("c")
        base = wid * ROWS_PER_W

        def idx_copy(c, b):
            return pltpu.make_async_copy(
                tok_hbm.at[pl.ds(base + c * CROWS, CROWS)], idx_v[b], sem_i[b]
            )

        def out_copy(c, b):
            return pltpu.make_async_copy(
                rows_v[b],
                out_hbm.at[
                    pl.ds(base + c * CROWS, CROWS), pl.ds(0, S), pl.ds(0, D)
                ],
                sem_o[b],
            )

        def fire_gathers(b):
            for r in range(CROWS):
                pltpu.async_copy(
                    w_hbm.at[idx_v[b].at[r]], rows_v[b].at[r], sem_g[b]
                )

        def drain_gathers(b):
            for r in range(CROWS):
                pltpu.make_async_copy(
                    w_hbm.at[idx_v[b].at[r]], rows_v[b].at[r], sem_g[b]
                ).wait()

        for b in range(NBUF):
            idx_copy(b, b).start()

        def outer(g, carry):
            for b in range(NBUF):
                i = g * NBUF + b
                pb = (b - 1) % NBUF

                @pl.when(g > 0)
                def _wait_rows_free():
                    out_copy(i - NBUF, b).wait()

                idx_copy(i, b).wait()
                fire_gathers(b)

                @pl.when(i > 0)
                def _retire_prev():
                    drain_gathers(pb)
                    out_copy(i - 1, pb).start()

                    @pl.when(i + NBUF - 1 < N_CHUNKS)
                    def _prefetch_idx():
                        idx_copy(i + NBUF - 1, pb).start()

            return carry

        lax.fori_loop(0, N_CHUNKS // NBUF, outer, 0)
        last_b = (N_CHUNKS - 1) % NBUF
        drain_gathers(last_b)
        out_copy(N_CHUNKS - 1, last_b).start()
        for b in range(NBUF):
            out_copy(N_CHUNKS - NBUF + b, b).wait()

    return emb


_emb = _make_kernel()


@jax.jit
def kernel(token_ids, W):
    out = _emb(token_ids, W)
    return out[:, :S, :D]

# --- scband reference (transcript-rebuilt; emitter-appended) ---
"""Pipeline reference for scband-embedding-21277267984724 (READ-ONLY COPY).

The authoritative reference and input builder live on the scoring server;
editing this copy changes nothing except your own understanding.
"""

import jax, jax.numpy as jnp
import numpy as np

VOCAB = 1000000
D = 64

def setup_inputs(seed: int = 0) -> dict:
    key = jax.random.key(seed)
    k1, k2 = jax.random.split(key)
    token_ids = jax.random.randint(k1, (16384, 50), 0, VOCAB, dtype=jnp.int64 if jax.config.jax_enable_x64 else jnp.int32)
    # trunc_normal_(mean=0, std=1, a=-3, b=3)
    W = jax.random.truncated_normal(k2, -3.0, 3.0, (VOCAB, D), dtype=jnp.float32)
    return {"token_ids": token_ids, "W": W}

def reference(token_ids, W):
    # Embedding lookup: W[token_ids]
    return jnp.take(W, token_ids, axis=0)

if __name__ == "__main__":
    import jax
    _d = setup_inputs()
    print(jax.jit(kernel)(*tuple(_d.values())))

</pallas_src>

<mosaic_0001>
#map = affine_map<(d0, d1) -> (0, 0)>
#map1 = affine_map<(d0, d1) -> (0, 0, 0)>
module attributes {stable_mosaic.version = 14 : i64} {
  func.func @emb(%arg0: i32, %arg1: i32, %arg2: memref<16384x50xi32, #tpu.memory_space<hbm>>, %arg3: memref<1000000x64xf32, #tpu.memory_space<hbm>>, %arg4: memref<16384x56x128xf32, #tpu.memory_space<hbm>>, %arg5: memref<8x50xi32, #tpu.memory_space<vmem>>, %arg6: memref<8x50xi32, #tpu.memory_space<vmem>>, %arg7: memref<8x50xi32, #tpu.memory_space<vmem>>, %arg8: memref<8x50xi32, #tpu.memory_space<vmem>>, %arg9: memref<8x50x64xf32, #tpu.memory_space<vmem>>, %arg10: memref<8x50x64xf32, #tpu.memory_space<vmem>>, %arg11: memref<8x50x64xf32, #tpu.memory_space<vmem>>, %arg12: memref<8x50x64xf32, #tpu.memory_space<vmem>>, %arg13: memref<!tpu.dma_semaphore, #tpu.memory_space<semaphore_mem>>, %arg14: memref<!tpu.dma_semaphore, #tpu.memory_space<semaphore_mem>>, %arg15: memref<!tpu.dma_semaphore, #tpu.memory_space<semaphore_mem>>, %arg16: memref<!tpu.dma_semaphore, #tpu.memory_space<semaphore_mem>>, %arg17: memref<!tpu.dma_semaphore, #tpu.memory_space<semaphore_mem>>, %arg18: memref<!tpu.dma_semaphore, #tpu.memory_space<semaphore_mem>>, %arg19: memref<!tpu.dma_semaphore, #tpu.memory_space<semaphore_mem>>, %arg20: memref<!tpu.dma_semaphore, #tpu.memory_space<semaphore_mem>>, %arg21: memref<!tpu.dma_semaphore, #tpu.memory_space<semaphore_mem>>, %arg22: memref<!tpu.dma_semaphore, #tpu.memory_space<semaphore_mem>>, %arg23: memref<!tpu.dma_semaphore, #tpu.memory_space<semaphore_mem>>, %arg24: memref<!tpu.dma_semaphore, #tpu.memory_space<semaphore_mem>>) attributes {dimension_semantics = [#tpu.dimension_semantics<core_parallel>, #tpu.dimension_semantics<subcore_parallel>], iteration_bounds = array<i64: 2, 16>, scalar_prefetch = 0 : i64, scratch_operands = 20 : i64, tpu.core_type = #tpu.core_type<sc_vector_subcore>, window_params = [{transform_indices = #map}, {transform_indices = #map}, {transform_indices = #map1}]} {
    %mul3A = arith.constant 2 : i32
    %mul3A_0 = arith.muli %arg1, %mul3A : i32
    %add3A = arith.addi %mul3A_0, %arg0 : i32
    %mul3A_1 = arith.constant 512 : i32
    %mul3A_2 = arith.muli %add3A, %mul3A_1 : i32
    %add3A_3 = arith.constant 0 : i32
    %add3A_4 = arith.addi %mul3A_2, %add3A_3 : i32
    %dma_start3A = arith.constant 0 : i32
    %dma_start3A_5 = tpu.memref_slice %arg2[%add3A_4, %dma_start3A] : memref<16384x50xi32, #tpu.memory_space<hbm>> -> memref<8x50xi32, #tpu.memory_space<hbm>>
    %dma_start3A_6 = arith.constant 0 : i32
    %dma_start3A_7 = tpu.memref_slice %arg2[%add3A_4, %dma_start3A_6] : memref<16384x50xi32, #tpu.memory_space<hbm>> -> memref<8x50xi32, #tpu.memory_space<hbm>>
    tpu.enqueue_dma source(%dma_start3A_7 : memref<8x50xi32, #tpu.memory_space<hbm>>) target(%arg5 : memref<8x50xi32, #tpu.memory_space<vmem>>) target_semaphore(%arg17 : memref<!tpu.dma_semaphore, #tpu.memory_space<semaphore_mem>>)
    %add3A_8 = arith.constant 8 : i32
    %add3A_9 = arith.addi %mul3A_2, %add3A_8 : i32
    %dma_start3A_10 = arith.constant 0 : i32
    %dma_start3A_11 = tpu.memref_slice %arg2[%add3A_9, %dma_start3A_10] : memref<16384x50xi32, #tpu.memory_space<hbm>> -> memref<8x50xi32, #tpu.memory_space<hbm>>
    %dma_start3A_12 = arith.constant 0 : i32
    %dma_start3A_13 = tpu.memref_slice %arg2[%add3A_9, %dma_start3A_12] : memref<16384x50xi32, #tpu.memory_space<hbm>> -> memref<8x50xi32, #tpu.memory_space<hbm>>
    tpu.enqueue_dma source(%dma_start3A_13 : memref<8x50xi32, #tpu.memory_space<hbm>>) target(%arg6 : memref<8x50xi32, #tpu.memory_space<vmem>>) target_semaphore(%arg18 : memref<!tpu.dma_semaphore, #tpu.memory_space<semaphore_mem>>)
    %add3A_14 = arith.constant 16 : i32
    %add3A_15 = arith.addi %mul3A_2, %add3A_14 : i32
    %dma_start3A_16 = arith.constant 0 : i32
    %dma_start3A_17 = tpu.memref_slice %arg2[%add3A_15, %dma_start3A_16] : memref<16384x50xi32, #tpu.memory_space<hbm>> -> memref<8x50xi32, #tpu.memory_space<hbm>>
    %dma_start3A_18 = arith.constant 0 : i32
    %dma_start3A_19 = tpu.memref_slice %arg2[%add3A_15, %dma_start3A_18] : memref<16384x50xi32, #tpu.memory_space<hbm>> -> memref<8x50xi32, #tpu.memory_space<hbm>>
    tpu.enqueue_dma source(%dma_start3A_19 : memref<8x50xi32, #tpu.memory_space<hbm>>) target(%arg7 : memref<8x50xi32, #tpu.memory_space<vmem>>) target_semaphore(%arg19 : memref<!tpu.dma_semaphore, #tpu.memory_space<semaphore_mem>>)
    %add3A_20 = arith.constant 24 : i32
    %add3A_21 = arith.addi %mul3A_2, %add3A_20 : i32
    %dma_start3A_22 = arith.constant 0 : i32
    %dma_start3A_23 = tpu.memref_slice %arg2[%add3A_21, %dma_start3A_22] : memref<16384x50xi32, #tpu.memory_space<hbm>> -> memref<8x50xi32, #tpu.memory_space<hbm>>
    %dma_start3A_24 = arith.constant 0 : i32
    %dma_start3A_25 = tpu.memref_slice %arg2[%add3A_21, %dma_start3A_24] : memref<16384x50xi32, #tpu.memory_space<hbm>> -> memref<8x50xi32, #tpu.memory_space<hbm>>
    tpu.enqueue_dma source(%dma_start3A_25 : memref<8x50xi32, #tpu.memory_space<hbm>>) target(%arg8 : memref<8x50xi32, #tpu.memory_space<vmem>>) target_semaphore(%arg20 : memref<!tpu.dma_semaphore, #tpu.memory_space<semaphore_mem>>)
    %scan3A = arith.constant 0 : i32
    %scan3A_26 = arith.constant 0 : i32
    %scan3A_27 = arith.constant 16 : i32
    %scan3A_28 = arith.addi %scan3A_26, %scan3A_27 : i32
    %scan3A_29 = arith.constant 1 : i32
    scf.for %scan3A_166 = %scan3A_26 to %scan3A_28 step %scan3A_29  : i32 {
      %mul3A_167 = arith.constant 4 : i32
      %mul3A_168 = arith.muli %scan3A_166, %mul3A_167 : i32
      %add3A_169 = arith.constant 0 : i32
      %add3A_170 = arith.addi %mul3A_168, %add3A_169 : i32
      %gt3A = arith.constant 0 : i32
      %gt3A_171 = arith.cmpi sgt, %scan3A_166, %gt3A : i32
      %convert_element_type3A = arith.extui %gt3A_171 : i1 to i32
      %cond3A = arith.constant 0 : i32
      %cond3A_172 = arith.cmpi ne, %convert_element_type3A, %cond3A : i32
      scf.if %cond3A_172 {
        %sub3A = arith.constant 4 : i32
        %sub3A_632 = arith.subi %add3A_170, %sub3A : i32
        %mul3A_633 = arith.constant 8 : i32
        %mul3A_634 = arith.muli %sub3A_632, %mul3A_633 : i32
        %add3A_635 = arith.addi %mul3A_2, %mul3A_634 : i32
        %dma_wait3A_636 = arith.constant 0 : i32
        %dma_wait3A_637 = arith.constant 0 : i32
        %dma_wait3A_638 = tpu.memref_slice %arg4[%add3A_635, %dma_wait3A_636, %dma_wait3A_637] : memref<16384x56x128xf32, #tpu.memory_space<hbm>> -> memref<8x50x64xf32, #tpu.memory_space<hbm>>
        %dma_wait3A_639 = arith.constant 0 : i32
        %dma_wait3A_640 = arith.constant 0 : i32
        %dma_wait3A_641 = tpu.memref_slice %arg4[%add3A_635, %dma_wait3A_639, %dma_wait3A_640] : memref<16384x56x128xf32, #tpu.memory_space<hbm>> -> memref<8x50x64xf32, #tpu.memory_space<hbm>>
        tpu.wait_dma2 semaphore(%arg21 : memref<!tpu.dma_semaphore, #tpu.memory_space<semaphore_mem>>) src(%arg9 : memref<8x50x64xf32, #tpu.memory_space<vmem>>) dst(%dma_wait3A_641 : memref<8x50x64xf32, #tpu.memory_space<hbm>>)
      } else {
      }
      %mul3A_173 = arith.constant 8 : i32
      %mul3A_174 = arith.muli %add3A_170, %mul3A_173 : i32
      %add3A_175 = arith.addi %mul3A_2, %mul3A_174 : i32
      %dma_wait3A_176 = arith.constant 0 : i32
      %dma_wait3A_177 = tpu.memref_slice %arg2[%add3A_175, %dma_wait3A_176] : memref<16384x50xi32, #tpu.memory_space<hbm>> -> memref<8x50xi32, #tpu.memory_space<hbm>>
      %dma_wait3A_178 = arith.constant 0 : i32
      %dma_wait3A_179 = tpu.memref_slice %arg2[%add3A_175, %dma_wait3A_178] : memref<16384x50xi32, #tpu.memory_space<hbm>> -> memref<8x50xi32, #tpu.memory_space<hbm>>
      tpu.wait_dma2 semaphore(%arg17 : memref<!tpu.dma_semaphore, #tpu.memory_space<semaphore_mem>>) src(%dma_wait3A_179 : memref<8x50xi32, #tpu.memory_space<hbm>>) dst(%arg5 : memref<8x50xi32, #tpu.memory_space<vmem>>)
      %dma_start3A_180 = arith.constant 0 : i32
      %dma_start3A_181 = arith.constant 0 : i32
      %dma_start3A_182 = arith.constant 0 : i32
      %dma_start3A_183 = arith.constant 0 : i32
      %dma_start3A_184 = tpu.memref_slice %arg9[%dma_start3A_181, %dma_start3A_182, %dma_start3A_183] : memref<8x50x64xf32, #tpu.memory_space<vmem>> -> memref<1x50x64xf32, #tpu.memory_space<vmem>>
      %dma_start3A_185 = tpu.memref_squeeze %dma_start3A_184 : memref<1x50x64xf32, #tpu.memory_space<vmem>> -> memref<50x64xf32, #tpu.memory_space<vmem>>
      %dma_start3A_186 = arith.constant 0 : i32
      %dma_start3A_187 = tpu.memref_slice %arg5[%dma_start3A_180, %dma_start3A_186] : memref<8x50xi32, #tpu.memory_space<vmem>> -> memref<1x50xi32, #tpu.memory_space<vmem>>
      %dma_start3A_188 = tpu.memref_squeeze %dma_start3A_187 : memref<1x50xi32, #tpu.memory_space<vmem>> -> memref<50xi32, #tpu.memory_space<vmem>>
      %dma_start3A_189 = arith.constant 0 : i32
      %dma_start3A_190 = arith.constant 0 : i32
      %dma_start3A_191 = tpu.memref_slice %arg3[%dma_start3A_189, %dma_start3A_190] : memref<1000000x64xf32, #tpu.memory_space<hbm>> -> memref<1000000x64xf32, #tpu.memory_space<hbm>>
      tpu.enqueue_indirect_dma source(%dma_start3A_191 : memref<1000000x64xf32, #tpu.memory_space<hbm>>) target(%dma_start3A_185 : memref<50x64xf32, #tpu.memory_space<vmem>>) offsets(%dma_start3A_188 : memref<50xi32, #tpu.memory_space<vmem>>) semaphore(%arg13 : memref<!tpu.dma_semaphore, #tpu.memory_space<semaphore_mem>>)
      %dma_start3A_192 = arith.constant 1 : i32
      %dma_start3A_193 = arith.constant 1 : i32
      %dma_start3A_194 = arith.constant 0 : i32
      %dma_start3A_195 = arith.constant 0 : i32
      %dma_start3A_196 = tpu.memref_slice %arg9[%dma_start3A_193, %dma_start3A_194, %dma_start3A_195] : memref<8x50x64xf32, #tpu.memory_space<vmem>> -> memref<1x50x64xf32, #tpu.memory_space<vmem>>
      %dma_start3A_197 = tpu.memref_squeeze %dma_start3A_196 : memref<1x50x64xf32, #tpu.memory_space<vmem>> -> memref<50x64xf32, #tpu.memory_space<vmem>>
      %dma_start3A_198 = arith.constant 0 : i32
      %dma_start3A_199 = tpu.memref_slice %arg5[%dma_start3A_192, %dma_start3A_198] : memref<8x50xi32, #tpu.memory_space<vmem>> -> memref<1x50xi32, #tpu.memory_space<vmem>>
      %dma_start3A_200 = tpu.memref_squeeze %dma_start3A_199 : memref<1x50xi32, #tpu.memory_space<vmem>> -> memref<50xi32, #tpu.memory_space<vmem>>
      %dma_start3A_201 = arith.constant 0 : i32
      %dma_start3A_202 = arith.constant 0 : i32
      %dma_start3A_203 = tpu.memref_slice %arg3[%dma_start3A_201, %dma_start3A_202] : memref<1000000x64xf32, #tpu.memory_space<hbm>> -> memref<1000000x64xf32, #tpu.memory_space<hbm>>
      tpu.enqueue_indirect_dma source(%dma_start3A_203 : memref<1000000x64xf32, #tpu.memory_space<hbm>>) target(%dma_start3A_197 : memref<50x64xf32, #tpu.memory_space<vmem>>) offsets(%dma_start3A_200 : memref<50xi32, #tpu.memory_space<vmem>>) semaphore(%arg13 : memref<!tpu.dma_semaphore, #tpu.memory_space<semaphore_mem>>)
      %dma_start3A_204 = arith.constant 2 : i32
      %dma_start3A_205 = arith.constant 2 : i32
      %dma_start3A_206 = arith.constant 0 : i32
      %dma_start3A_207 = arith.constant 0 : i32
      %dma_start3A_208 = tpu.memref_slice %arg9[%dma_start3A_205, %dma_start3A_206, %dma_start3A_207] : memref<8x50x64xf32, #tpu.memory_space<vmem>> -> memref<1x50x64xf32, #tpu.memory_space<vmem>>
      %dma_start3A_209 = tpu.memref_squeeze %dma_start3A_208 : memref<1x50x64xf32, #tpu.memory_space<vmem>> -> memref<50x64xf32, #tpu.memory_space<vmem>>
      %dma_start3A_210 = arith.constant 0 : i32
      %dma_start3A_211 = tpu.memref_slice %arg5[%dma_start3A_204, %dma_start3A_210] : memref<8x50xi32, #tpu.memory_space<vmem>> -> memref<1x50xi32, #tpu.memory_space<vmem>>
      %dma_start3A_212 = tpu.memref_squeeze %dma_start3A_211 : memref<1x50xi32, #tpu.memory_space<vmem>> -> memref<50xi32, #tpu.memory_space<vmem>>
      %dma_start3A_213 = arith.constant 0 : i32
      %dma_start3A_214 = arith.constant 0 : i32
      %dma_start3A_215 = tpu.memref_slice %arg3[%dma_start3A_213, %dma_start3A_214] : memref<1000000x64xf32, #tpu.memory_space<hbm>> -> memref<1000000x64xf32, #tpu.memory_space<hbm>>
      tpu.enqueue_indirect_dma source(%dma_start3A_215 : memref<1000000x64xf32, #tpu.memory_space<hbm>>) target(%dma_start3A_209 : memref<50x64xf32, #tpu.memory_space<vmem>>) offsets(%dma_start3A_212 : memref<50xi32, #tpu.memory_space<vmem>>) semaphore(%arg13 : memref<!tpu.dma_semaphore, #tpu.memory_space<semaphore_mem>>)
      %dma_start3A_216 = arith.constant 3 : i32
      %dma_start3A_217 = arith.constant 3 : i32
      %dma_start3A_218 = arith.constant 0 : i32
      %dma_start3A_219 = arith.constant 0 : i32
      %dma_start3A_220 = tpu.memref_slice %arg9[%dma_start3A_217, %dma_start3A_218, %dma_start3A_219] : memref<8x50x64xf32, #tpu.memory_space<vmem>> -> memref<1x50x64xf32, #tpu.memory_space<vmem>>
      %dma_start3A_221 = tpu.memref_squeeze %dma_start3A_220 : memref<1x50x64xf32, #tpu.memory_space<vmem>> -> memref<50x64xf32, #tpu.memory_space<vmem>>
      %dma_start3A_222 = arith.constant 0 : i32
      %dma_start3A_223 = tpu.memref_slice %arg5[%dma_start3A_216, %dma_start3A_222] : memref<8x50xi32, #tpu.memory_space<vmem>> -> memref<1x50xi32, #tpu.memory_space<vmem>>
      %dma_start3A_224 = tpu.memref_squeeze %dma_start3A_223 : memref<1x50xi32, #tpu.memory_space<vmem>> -> memref<50xi32, #tpu.memory_space<vmem>>
      %dma_start3A_225 = arith.constant 0 : i32
      %dma_start3A_226 = arith.constant 0 : i32
      %dma_start3A_227 = tpu.memref_slice %arg3[%dma_start3A_225, %dma_start3A_226] : memref<1000000x64xf32, #tpu.memory_space<hbm>> -> memref<1000000x64xf32, #tpu.memory_space<hbm>>
      tpu.enqueue_indirect_dma source(%dma_start3A_227 : memref<1000000x64xf32, #tpu.memory_space<hbm>>) target(%dma_start3A_221 : memref<50x64xf32, #tpu.memory_space<vmem>>) offsets(%dma_start3A_224 : memref<50xi32, #tpu.memory_space<vmem>>) semaphore(%arg13 : memref<!tpu.dma_semaphore, #tpu.memory_space<semaphore_mem>>)
      %dma_start3A_228 = arith.constant 4 : i32
      %dma_start3A_229 = arith.constant 4 : i32
      %dma_start3A_230 = arith.constant 0 : i32
      %dma_start3A_231 = arith.constant 0 : i32
      %dma_start3A_232 = tpu.memref_slice %arg9[%dma_start3A_229, %dma_start3A_230, %dma_start3A_231] : memref<8x50x64xf32, #tpu.memory_space<vmem>> -> memref<1x50x64xf32, #tpu.memory_space<vmem>>
      %dma_start3A_233 = tpu.memref_squeeze %dma_start3A_232 : memref<1x50x64xf32, #tpu.memory_space<vmem>> -> memref<50x64xf32, #tpu.memory_space<vmem>>
      %dma_start3A_234 = arith.constant 0 : i32
      %dma_start3A_235 = tpu.memref_slice %arg5[%dma_start3A_228, %dma_start3A_234] : memref<8x50xi32, #tpu.memory_space<vmem>> -> memref<1x50xi32, #tpu.memory_space<vmem>>
      %dma_start3A_236 = tpu.memref_squeeze %dma_start3A_235 : memref<1x50xi32, #tpu.memory_space<vmem>> -> memref<50xi32, #tpu.memory_space<vmem>>
      %dma_start3A_237 = arith.constant 0 : i32
      %dma_start3A_238 = arith.constant 0 : i32
      %dma_start3A_239 = tpu.memref_slice %arg3[%dma_start3A_237, %dma_start3A_238] : memref<1000000x64xf32, #tpu.memory_space<hbm>> -> memref<1000000x64xf32, #tpu.memory_space<hbm>>
      tpu.enqueue_indirect_dma source(%dma_start3A_239 : memref<1000000x64xf32, #tpu.memory_space<hbm>>) target(%dma_start3A_233 : memref<50x64xf32, #tpu.memory_space<vmem>>) offsets(%dma_start3A_236 : memref<50xi32, #tpu.memory_space<vmem>>) semaphore(%arg13 : memref<!tpu.dma_semaphore, #tpu.memory_space<semaphore_mem>>)
      %dma_start3A_240 = arith.constant 5 : i32
      %dma_start3A_241 = arith.constant 5 : i32
      %dma_start3A_242 = arith.constant 0 : i32
      %dma_start3A_243 = arith.constant 0 : i32
      %dma_start3A_244 = tpu.memref_slice %arg9[%dma_start3A_241, %dma_start3A_242, %dma_start3A_243] : memref<8x50x64xf32, #tpu.memory_space<vmem>> -> memref<1x50x64xf32, #tpu.memory_space<vmem>>
      %dma_start3A_245 = tpu.memref_squeeze %dma_start3A_244 : memref<1x50x64xf32, #tpu.memory_space<vmem>> -> memref<50x64xf32, #tpu.memory_space<vmem>>
      %dma_start3A_246 = arith.constant 0 : i32
      %dma_start3A_247 = tpu.memref_slice %arg5[%dma_start3A_240, %dma_start3A_246] : memref<8x50xi32, #tpu.memory_space<vmem>> -> memref<1x50xi32, #tpu.memory_space<vmem>>
      %dma_start3A_248 = tpu.memref_squeeze %dma_start3A_247 : memref<1x50xi32, #tpu.memory_space<vmem>> -> memref<50xi32, #tpu.memory_space<vmem>>
      %dma_start3A_249 = arith.constant 0 : i32
      %dma_start3A_250 = arith.constant 0 : i32
      %dma_start3A_251 = tpu.memref_slice %arg3[%dma_start3A_249, %dma_start3A_250] : memref<1000000x64xf32, #tpu.memory_space<hbm>> -> memref<1000000x64xf32, #tpu.memory_space<hbm>>
      tpu.enqueue_indirect_dma source(%dma_start3A_251 : memref<1000000x64xf32, #tpu.memory_space<hbm>>) target(%dma_start3A_245 : memref<50x64xf32, #tpu.memory_space<vmem>>) offsets(%dma_start3A_248 : memref<50xi32, #tpu.memory_space<vmem>>) semaphore(%arg13 : memref<!tpu.dma_semaphore, #tpu.memory_space<semaphore_mem>>)
      %dma_start3A_252 = arith.constant 6 : i32
      %dma_start3A_253 = arith.constant 6 : i32
      %dma_start3A_254 = arith.constant 0 : i32
      %dma_start3A_255 = arith.constant 0 : i32
      %dma_start3A_256 = tpu.memref_slice %arg9[%dma_start3A_253, %dma_start3A_254, %dma_start3A_255] : memref<8x50x64xf32, #tpu.memory_space<vmem>> -> memref<1x50x64xf32, #tpu.memory_space<vmem>>
      %dma_start3A_257 = tpu.memref_squeeze %dma_start3A_256 : memref<1x50x64xf32, #tpu.memory_space<vmem>> -> memref<50x64xf32, #tpu.memory_space<vmem>>
      %dma_start3A_258 = arith.constant 0 : i32
      %dma_start3A_259 = tpu.memref_slice %arg5[%dma_start3A_252, %dma_start3A_258] : memref<8x50xi32, #tpu.memory_space<vmem>> -> memref<1x50xi32, #tpu.memory_space<vmem>>
      %dma_start3A_260 = tpu.memref_squeeze %dma_start3A_259 : memref<1x50xi32, #tpu.memory_space<vmem>> -> memref<50xi32, #tpu.memory_space<vmem>>
      %dma_start3A_261 = arith.constant 0 : i32
      %dma_start3A_262 = arith.constant 0 : i32
      %dma_start3A_263 = tpu.memref_slice %arg3[%dma_start3A_261, %dma_start3A_262] : memref<1000000x64xf32, #tpu.memory_space<hbm>> -> memref<1000000x64xf32, #tpu.memory_space<hbm>>
      tpu.enqueue_indirect_dma source(%dma_start3A_263 : memref<1000000x64xf32, #tpu.memory_space<hbm>>) target(%dma_start3A_257 : memref<50x64xf32, #tpu.memory_space<vmem>>) offsets(%dma_start3A_260 : memref<50xi32, #tpu.memory_space<vmem>>) semaphore(%arg13 : memref<!tpu.dma_semaphore, #tpu.memory_space<semaphore_mem>>)
      %dma_start3A_264 = arith.constant 7 : i32
      %dma_start3A_265 = arith.constant 7 : i32
      %dma_start3A_266 = arith.constant 0 : i32
      %dma_start3A_267 = arith.constant 0 : i32
      %dma_start3A_268 = tpu.memref_slice %arg9[%dma_start3A_265, %dma_start3A_266, %dma_start3A_267] : memref<8x50x64xf32, #tpu.memory_space<vmem>> -> memref<1x50x64xf32, #tpu.memory_space<vmem>>
      %dma_start3A_269 = tpu.memref_squeeze %dma_start3A_268 : memref<1x50x64xf32, #tpu.memory_space<vmem>> -> memref<50x64xf32, #tpu.memory_space<vmem>>
      %dma_start3A_270 = arith.constant 0 : i32
      %dma_start3A_271 = tpu.memref_slice %arg5[%dma_start3A_264, %dma_start3A_270] : memref<8x50xi32, #tpu.memory_space<vmem>> -> memref<1x50xi32, #tpu.memory_space<vmem>>
      %dma_start3A_272 = tpu.memref_squeeze %dma_start3A_271 : memref<1x50xi32, #tpu.memory_space<vmem>> -> memref<50xi32, #tpu.memory_space<vmem>>
      %dma_start3A_273 = arith.constant 0 : i32
      %dma_start3A_274 = arith.constant 0 : i32
      %dma_start3A_275 = tpu.memref_slice %arg3[%dma_start3A_273, %dma_start3A_274] : memref<1000000x64xf32, #tpu.memory_space<hbm>> -> memref<1000000x64xf32, #tpu.memory_space<hbm>>
      tpu.enqueue_indirect_dma source(%dma_start3A_275 : memref<1000000x64xf32, #tpu.memory_space<hbm>>) target(%dma_start3A_269 : memref<50x64xf32, #tpu.memory_space<vmem>>) offsets(%dma_start3A_272 : memref<50xi32, #tpu.memory_space<vmem>>) semaphore(%arg13 : memref<!tpu.dma_semaphore, #tpu.memory_space<semaphore_mem>>)
      %gt3A_276 = arith.constant 0 : i32
      %gt3A_277 = arith.cmpi sgt, %add3A_170, %gt3A_276 : i32
      %convert_element_type3A_278 = arith.extui %gt3A_277 : i1 to i32
      %cond3A_279 = arith.constant 0 : i32
      %cond3A_280 = arith.cmpi ne, %convert_element_type3A_278, %cond3A_279 : i32
      scf.if %cond3A_280 {
        %dma_wait3A_632 = arith.constant 0 : i32
        %dma_wait3A_633 = arith.constant 0 : i32
        %dma_wait3A_634 = arith.constant 0 : i32
        %dma_wait3A_635 = arith.constant 0 : i32
        %dma_wait3A_636 = tpu.memref_slice %arg12[%dma_wait3A_633, %dma_wait3A_634, %dma_wait3A_635] : memref<8x50x64xf32, #tpu.memory_space<vmem>> -> memref<1x50x64xf32, #tpu.memory_space<vmem>>
        %dma_wait3A_637 = tpu.memref_squeeze %dma_wait3A_636 : memref<1x50x64xf32, #tpu.memory_space<vmem>> -> memref<50x64xf32, #tpu.memory_space<vmem>>
        %dma_wait3A_638 = arith.constant 0 : i32
        %dma_wait3A_639 = tpu.memref_slice %arg8[%dma_wait3A_632, %dma_wait3A_638] : memref<8x50xi32, #tpu.memory_space<vmem>> -> memref<1x50xi32, #tpu.memory_space<vmem>>
        %dma_wait3A_640 = tpu.memref_squeeze %dma_wait3A_639 : memref<1x50xi32, #tpu.memory_space<vmem>> -> memref<50xi32, #tpu.memory_space<vmem>>
        %dma_wait3A_641 = arith.constant 0 : i32
        %dma_wait3A_642 = arith.constant 0 : i32
        %dma_wait3A_643 = tpu.memref_slice %arg3[%dma_wait3A_641, %dma_wait3A_642] : memref<1000000x64xf32, #tpu.memory_space<hbm>> -> memref<1000000x64xf32, #tpu.memory_space<hbm>>
        tpu.wait_indirect_dma semaphore(%arg16 : memref<!tpu.dma_semaphore, #tpu.memory_space<semaphore_mem>>) src(%dma_wait3A_643 : memref<1000000x64xf32, #tpu.memory_space<hbm>>) dst(%dma_wait3A_637 : memref<50x64xf32, #tpu.memory_space<vmem>>)
        %dma_wait3A_644 = arith.constant 1 : i32
        %dma_wait3A_645 = arith.constant 1 : i32
        %dma_wait3A_646 = arith.constant 0 : i32
        %dma_wait3A_647 = arith.constant 0 : i32
        %dma_wait3A_648 = tpu.memref_slice %arg12[%dma_wait3A_645, %dma_wait3A_646, %dma_wait3A_647] : memref<8x50x64xf32, #tpu.memory_space<vmem>> -> memref<1x50x64xf32, #tpu.memory_space<vmem>>
        %dma_wait3A_649 = tpu.memref_squeeze %dma_wait3A_648 : memref<1x50x64xf32, #tpu.memory_space<vmem>> -> memref<50x64xf32, #tpu.memory_space<vmem>>
        %dma_wait3A_650 = arith.constant 0 : i32
        %dma_wait3A_651 = tpu.memref_slice %arg8[%dma_wait3A_644, %dma_wait3A_650] : memref<8x50xi32, #tpu.memory_space<vmem>> -> memref<1x50xi32, #tpu.memory_space<vmem>>
        %dma_wait3A_652 = tpu.memref_squeeze %dma_wait3A_651 : memref<1x50xi32, #tpu.memory_space<vmem>> -> memref<50xi32, #tpu.memory_space<vmem>>
        %dma_wait3A_653 = arith.constant 0 : i32
        %dma_wait3A_654 = arith.constant 0 : i32
        %dma_wait3A_655 = tpu.memref_slice %arg3[%dma_wait3A_653, %dma_wait3A_654] : memref<1000000x64xf32, #tpu.memory_space<hbm>> -> memref<1000000x64xf32, #tpu.memory_space<hbm>>
        tpu.wait_indirect_dma semaphore(%arg16 : memref<!tpu.dma_semaphore, #tpu.memory_space<semaphore_mem>>) src(%dma_wait3A_655 : memref<1000000x64xf32, #tpu.memory_space<hbm>>) dst(%dma_wait3A_649 : memref<50x64xf32, #tpu.memory_space<vmem>>)
        %dma_wait3A_656 = arith.constant 2 : i32
        %dma_wait3A_657 = arith.constant 2 : i32
        %dma_wait3A_658 = arith.constant 0 : i32
        %dma_wait3A_659 = arith.constant 0 : i32
        %dma_wait3A_660 = tpu.memref_slice %arg12[%dma_wait3A_657, %dma_wait3A_658, %dma_wait3A_659] : memref<8x50x64xf32, #tpu.memory_space<vmem>> -> memref<1x50x64xf32, #tpu.memory_space<vmem>>
        %dma_wait3A_661 = tpu.memref_squeeze %dma_wait3A_660 : memref<1x50x64xf32, #tpu.memory_space<vmem>> -> memref<50x64xf32, #tpu.memory_space<vmem>>
        %dma_wait3A_662 = arith.constant 0 : i32
        %dma_wait3A_663 = tpu.memref_slice %arg8[%dma_wait3A_656, %dma_wait3A_662] : memref<8x50xi32, #tpu.memory_space<vmem>> -> memref<1x50xi32, #tpu.memory_space<vmem>>
        %dma_wait3A_664 = tpu.memref_squeeze %dma_wait3A_663 : memref<1x50xi32, #tpu.memory_space<vmem>> -> memref<50xi32, #tpu.memory_space<vmem>>
        %dma_wait3A_665 = arith.constant 0 : i32
        %dma_wait3A_666 = arith.constant 0 : i32
        %dma_wait3A_667 = tpu.memref_slice %arg3[%dma_wait3A_665, %dma_wait3A_666] : memref<1000000x64xf32, #tpu.memory_space<hbm>> -> memref<1000000x64xf32, #tpu.memory_space<hbm>>
        tpu.wait_indirect_dma semaphore(%arg16 : memref<!tpu.dma_semaphore, #tpu.memory_space<semaphore_mem>>) src(%dma_wait3A_667 : memref<1000000x64xf32, #tpu.memory_space<hbm>>) dst(%dma_wait3A_661 : memref<50x64xf32, #tpu.memory_space<vmem>>)
        %dma_wait3A_668 = arith.constant 3 : i32
        %dma_wait3A_669 = arith.constant 3 : i32
        %dma_wait3A_670 = arith.constant 0 : i32
        %dma_wait3A_671 = arith.constant 0 : i32
        %dma_wait3A_672 = tpu.memref_slice %arg12[%dma_wait3A_669, %dma_wait3A_670, %dma_wait3A_671] : memref<8x50x64xf32, #tpu.memory_space<vmem>> -> memref<1x50x64xf32, #tpu.memory_space<vmem>>
        %dma_wait3A_673 = tpu.memref_squeeze %dma_wait3A_672 : memref<1x50x64xf32, #tpu.memory_space<vmem>> -> memref<50x64xf32, #tpu.memory_space<vmem>>
        %dma_wait3A_674 = arith.constant 0 : i32
        %dma_wait3A_675 = tpu.memref_slice %arg8[%dma_wait3A_668, %dma_wait3A_674] : memref<8x50xi32, #tpu.memory_space<vmem>> -> memref<1x50xi32, #tpu.memory_space<vmem>>
        %dma_wait3A_676 = tpu.memref_squeeze %dma_wait3A_675 : memref<1x50xi32, #tpu.memory_space<vmem>> -> memref<50xi32, #tpu.memory_space<vmem>>
        %dma_wait3A_677 = arith.constant 0 : i32
        %dma_wait3A_678 = arith.constant 0 : i32
        %dma_wait3A_679 = tpu.memref_slice %arg3[%dma_wait3A_677, %dma_wait3A_678] : memref<1000000x64xf32, #tpu.memory_space<hbm>> -> memref<1000000x64xf32, #tpu.memory_space<hbm>>
        tpu.wait_indirect_dma semaphore(%arg16 : memref<!tpu.dma_semaphore, #tpu.memory_space<semaphore_mem>>) src(%dma_wait3A_679 : memref<1000000x64xf32, #tpu.memory_space<hbm>>) dst(%dma_wait3A_673 : memref<50x64xf32, #tpu.memory_space<vmem>>)
        %dma_wait3A_680 = arith.constant 4 : i32
        %dma_wait3A_681 = arith.constant 4 : i32
        %dma_wait3A_682 = arith.constant 0 : i32
        %dma_wait3A_683 = arith.constant 0 : i32
        %dma_wait3A_684 = tpu.memref_slice %arg12[%dma_wait3A_681, %dma_wait3A_682, %dma_wait3A_683] : memref<8x50x64xf32, #tpu.memory_space<vmem>> -> memref<1x50x64xf32, #tpu.memory_space<vmem>>
        %dma_wait3A_685 = tpu.memref_squeeze %dma_wait3A_684 : memref<1x50x64xf32, #tpu.memory_space<vmem>> -> memref<50x64xf32, #tpu.memory_space<vmem>>
        %dma_wait3A_686 = arith.constant 0 : i32
        %dma_wait3A_687 = tpu.memref_slice %arg8[%dma_wait3A_680, %dma_wait3A_686] : memref<8x50xi32, #tpu.memory_space<vmem>> -> memref<1x50xi32, #tpu.memory_space<vmem>>
        %dma_wait3A_688 = tpu.memref_squeeze %dma_wait3A_687 : memref<1x50xi32, #tpu.memory_space<vmem>> -> memref<50xi32, #tpu.memory_space<vmem>>
        %dma_wait3A_689 = arith.constant 0 : i32
        %dma_wait3A_690 = arith.constant 0 : i32
        %dma_wait3A_691 = tpu.memref_slice %arg3[%dma_wait3A_689, %dma_wait3A_690] : memref<1000000x64xf32, #tpu.memory_space<hbm>> -> memref<1000000x64xf32, #tpu.memory_space<hbm>>
        tpu.wait_indirect_dma semaphore(%arg16 : memref<!tpu.dma_semaphore, #tpu.memory_space<semaphore_mem>>) src(%dma_wait3A_691 : memref<1000000x64xf32, #tpu.memory_space<hbm>>) dst(%dma_wait3A_685 : memref<50x64xf32, #tpu.memory_space<vmem>>)
        %dma_wait3A_692 = arith.constant 5 : i32
        %dma_wait3A_693 = arith.constant 5 : i32
        %dma_wait3A_694 = arith.constant 0 : i32
        %dma_wait3A_695 = arith.constant 0 : i32
        %dma_wait3A_696 = tpu.memref_slice %arg12[%dma_wait3A_693, %dma_wait3A_694, %dma_wait3A_695] : memref<8x50x64xf32, #tpu.memory_space<vmem>> -> memref<1x50x64xf32, #tpu.memory_space<vmem>>
        %dma_wait3A_697 = tpu.memref_squeeze %dma_wait3A_696 : memref<1x50x64xf32, #tpu.memory_space<vmem>> -> memref<50x64xf32, #tpu.memory_space<vmem>>
        %dma_wait3A_698 = arith.constant 0 : i32
        %dma_wait3A_699 = tpu.memref_slice %arg8[%dma_wait3A_692, %dma_wait3A_698] : memref<8x50xi32, #tpu.memory_space<vmem>> -> memref<1x50xi32, #tpu.memory_space<vmem>>
        %dma_wait3A_700 = tpu.memref_squeeze %dma_wait3A_699 : memref<1x50xi32, #tpu.memory_space<vmem>> -> memref<50xi32, #tpu.memory_space<vmem>>
        %dma_wait3A_701 = arith.constant 0 : i32
        %dma_wait3A_702 = arith.constant 0 : i32
        %dma_wait3A_703 = tpu.memref_slice %arg3[%dma_wait3A_701, %dma_wait3A_702] : memref<1000000x64xf32, #tpu.memory_space<hbm>> -> memref<1000000x64xf32, #tpu.memory_space<hbm>>
        tpu.wait_indirect_dma semaphore(%arg16 : memref<!tpu.dma_semaphore, #tpu.memory_space<semaphore_mem>>) src(%dma_wait3A_703 : memref<1000000x64xf32, #tpu.memory_space<hbm>>) dst(%dma_wait3A_697 : memref<50x64xf32, #tpu.memory_space<vmem>>)
        %dma_wait3A_704 = arith.constant 6 : i32
        %dma_wait3A_705 = arith.constant 6 : i32
        %dma_wait3A_706 = arith.constant 0 : i32
        %dma_wait3A_707 = arith.constant 0 : i32
        %dma_wait3A_708 = tpu.memref_slice %arg12[%dma_wait3A_705, %dma_wait3A_706, %dma_wait3A_707] : memref<8x50x64xf32, #tpu.memory_space<vmem>> -> memref<1x50x64xf32, #tpu.memory_space<vmem>>
        %dma_wait3A_709 = tpu.memref_squeeze %dma_wait3A_708 : memref<1x50x64xf32, #tpu.memory_space<vmem>> -> memref<50x64xf32, #tpu.memory_space<vmem>>
        %dma_wait3A_710 = arith.constant 0 : i32
        %dma_wait3A_711 = tpu.memref_slice %arg8[%dma_wait3A_704, %dma_wait3A_710] : memref<8x50xi32, #tpu.memory_space<vmem>> -> memref<1x50xi32, #tpu.memory_space<vmem>>
        %dma_wait3A_712 = tpu.memref_squeeze %dma_wait3A_711 : memref<1x50xi32, #tpu.memory_space<vmem>> -> memref<50xi32, #tpu.memory_space<vmem>>
        %dma_wait3A_713 = arith.constant 0 : i32
        %dma_wait3A_714 = arith.constant 0 : i32
        %dma_wait3A_715 = tpu.memref_slice %arg3[%dma_wait3A_713, %dma_wait3A_714] : memref<1000000x64xf32, #tpu.memory_space<hbm>> -> memref<1000000x64xf32, #tpu.memory_space<hbm>>
        tpu.wait_indirect_dma semaphore(%arg16 : memref<!tpu.dma_semaphore, #tpu.memory_space<semaphore_mem>>) src(%dma_wait3A_715 : memref<1000000x64xf32, #tpu.memory_space<hbm>>) dst(%dma_wait3A_709 : memref<50x64xf32, #tpu.memory_space<vmem>>)
        %dma_wait3A_716 = arith.constant 7 : i32
        %dma_wait3A_717 = arith.constant 7 : i32
        %dma_wait3A_718 = arith.constant 0 : i32
        %dma_wait3A_719 = arith.constant 0 : i32
        %dma_wait3A_720 = tpu.memref_slice %arg12[%dma_wait3A_717, %dma_wait3A_718, %dma_wait3A_719] : memref<8x50x64xf32, #tpu.memory_space<vmem>> -> memref<1x50x64xf32, #tpu.memory_space<vmem>>
        %dma_wait3A_721 = tpu.memref_squeeze %dma_wait3A_720 : memref<1x50x64xf32, #tpu.memory_space<vmem>> -> memref<50x64xf32, #tpu.memory_space<vmem>>
        %dma_wait3A_722 = arith.constant 0 : i32
        %dma_wait3A_723 = tpu.memref_slice %arg8[%dma_wait3A_716, %dma_wait3A_722] : memref<8x50xi32, #tpu.memory_space<vmem>> -> memref<1x50xi32, #tpu.memory_space<vmem>>
        %dma_wait3A_724 = tpu.memref_squeeze %dma_wait3A_723 : memref<1x50xi32, #tpu.memory_space<vmem>> -> memref<50xi32, #tpu.memory_space<vmem>>
        %dma_wait3A_725 = arith.constant 0 : i32
        %dma_wait3A_726 = arith.constant 0 : i32
        %dma_wait3A_727 = tpu.memref_slice %arg3[%dma_wait3A_725, %dma_wait3A_726] : memref<1000000x64xf32, #tpu.memory_space<hbm>> -> memref<1000000x64xf32, #tpu.memory_space<hbm>>
        tpu.wait_indirect_dma semaphore(%arg16 : memref<!tpu.dma_semaphore, #tpu.memory_space<semaphore_mem>>) src(%dma_wait3A_727 : memref<1000000x64xf32, #tpu.memory_space<hbm>>) dst(%dma_wait3A_721 : memref<50x64xf32, #tpu.memory_space<vmem>>)
        %sub3A = arith.constant 1 : i32
        %sub3A_728 = arith.subi %add3A_170, %sub3A : i32
        %mul3A_729 = arith.constant 8 : i32
        %mul3A_730 = arith.muli %sub3A_728, %mul3A_729 : i32
        %add3A_731 = arith.addi %mul3A_2, %mul3A_730 : i32
        %dma_start3A_732 = arith.constant 0 : i32
        %dma_start3A_733 = arith.constant 0 : i32
        %dma_start3A_734 = tpu.memref_slice %arg4[%add3A_731, %dma_start3A_732, %dma_start3A_733] : memref<16384x56x128xf32, #tpu.memory_space<hbm>> -> memref<8x50x64xf32, #tpu.memory_space<hbm>>
        %dma_start3A_735 = arith.constant 0 : i32
        %dma_start3A_736 = arith.constant 0 : i32
        %dma_start3A_737 = tpu.memref_slice %arg4[%add3A_731, %dma_start3A_735, %dma_start3A_736] : memref<16384x56x128xf32, #tpu.memory_space<hbm>> -> memref<8x50x64xf32, #tpu.memory_space<hbm>>
        tpu.enqueue_dma source(%arg12 : memref<8x50x64xf32, #tpu.memory_space<vmem>>) target(%dma_start3A_737 : memref<8x50x64xf32, #tpu.memory_space<hbm>>) target_semaphore(%arg24 : memref<!tpu.dma_semaphore, #tpu.memory_space<semaphore_mem>>)
        %add3A_738 = arith.constant 4 : i32
        %add3A_739 = arith.addi %add3A_170, %add3A_738 : i32
        %sub3A_740 = arith.constant 1 : i32
        %sub3A_741 = arith.subi %add3A_739, %sub3A_740 : i32
        %lt3A = arith.constant 64 : i32
        %lt3A_742 = arith.cmpi slt, %sub3A_741, %lt3A : i32
        %convert_element_type3A_743 = arith.extui %lt3A_742 : i1 to i32
        %cond3A_744 = arith.constant 0 : i32
        %cond3A_745 = arith.cmpi ne, %convert_element_type3A_743, %cond3A_744 : i32
        scf.if %cond3A_745 {
          %add3A_746 = arith.constant 4 : i32
          %add3A_747 = arith.addi %add3A_170, %add3A_746 : i32
          %sub3A_748 = arith.constant 1 : i32
          %sub3A_749 = arith.subi %add3A_747, %sub3A_748 : i32
          %mul3A_750 = arith.constant 8 : i32
          %mul3A_751 = arith.muli %sub3A_749, %mul3A_750 : i32
          %add3A_752 = arith.addi %mul3A_2, %mul3A_751 : i32
          %dma_start3A_753 = arith.constant 0 : i32
          %dma_start3A_754 = tpu.memref_slice %arg2[%add3A_752, %dma_start3A_753] : memref<16384x50xi32, #tpu.memory_space<hbm>> -> memref<8x50xi32, #tpu.memory_space<hbm>>
          %dma_start3A_755 = arith.constant 0 : i32
          %dma_start3A_756 = tpu.memref_slice %arg2[%add3A_752, %dma_start3A_755] : memref<16384x50xi32, #tpu.memory_space<hbm>> -> memref<8x50xi32, #tpu.memory_space<hbm>>
          tpu.enqueue_dma source(%dma_start3A_756 : memref<8x50xi32, #tpu.memory_space<hbm>>) target(%arg8 : memref<8x50xi32, #tpu.memory_space<vmem>>) target_semaphore(%arg20 : memref<!tpu.dma_semaphore, #tpu.memory_space<semaphore_mem>>)
        } else {
        }
      } else {
      }
      %mul3A_281 = arith.constant 4 : i32
      %mul3A_282 = arith.muli %scan3A_166, %mul3A_281 : i32
      %add3A_283 = arith.constant 1 : i32
      %add3A_284 = arith.addi %mul3A_282, %add3A_283 : i32
      %gt3A_285 = arith.constant 0 : i32
      %gt3A_286 = arith.cmpi sgt, %scan3A_166, %gt3A_285 : i32
      %convert_element_type3A_287 = arith.extui %gt3A_286 : i1 to i32
      %cond3A_288 = arith.constant 0 : i32
      %cond3A_289 = arith.cmpi ne, %convert_element_type3A_287, %cond3A_288 : i32
      scf.if %cond3A_289 {
        %sub3A = arith.constant 4 : i32
        %sub3A_632 = arith.subi %add3A_284, %sub3A : i32
        %mul3A_633 = arith.constant 8 : i32
        %mul3A_634 = arith.muli %sub3A_632, %mul3A_633 : i32
        %add3A_635 = arith.addi %mul3A_2, %mul3A_634 : i32
        %dma_wait3A_636 = arith.constant 0 : i32
        %dma_wait3A_637 = arith.constant 0 : i32
        %dma_wait3A_638 = tpu.memref_slice %arg4[%add3A_635, %dma_wait3A_636, %dma_wait3A_637] : memref<16384x56x128xf32, #tpu.memory_space<hbm>> -> memref<8x50x64xf32, #tpu.memory_space<hbm>>
        %dma_wait3A_639 = arith.constant 0 : i32
        %dma_wait3A_640 = arith.constant 0 : i32
        %dma_wait3A_641 = tpu.memref_slice %arg4[%add3A_635, %dma_wait3A_639, %dma_wait3A_640] : memref<16384x56x128xf32, #tpu.memory_space<hbm>> -> memref<8x50x64xf32, #tpu.memory_space<hbm>>
        tpu.wait_dma2 semaphore(%arg22 : memref<!tpu.dma_semaphore, #tpu.memory_space<semaphore_mem>>) src(%arg10 : memref<8x50x64xf32, #tpu.memory_space<vmem>>) dst(%dma_wait3A_641 : memref<8x50x64xf32, #tpu.memory_space<hbm>>)
      } else {
      }
      %mul3A_290 = arith.constant 8 : i32
      %mul3A_291 = arith.muli %add3A_284, %mul3A_290 : i32
      %add3A_292 = arith.addi %mul3A_2, %mul3A_291 : i32
      %dma_wait3A_293 = arith.constant 0 : i32
      %dma_wait3A_294 = tpu.memref_slice %arg2[%add3A_292, %dma_wait3A_293] : memref<16384x50xi32, #tpu.memory_space<hbm>> -> memref<8x50xi32, #tpu.memory_space<hbm>>
      %dma_wait3A_295 = arith.constant 0 : i32
      %dma_wait3A_296 = tpu.memref_slice %arg2[%add3A_292, %dma_wait3A_295] : memref<16384x50xi32, #tpu.memory_space<hbm>> -> memref<8x50xi32, #tpu.memory_space<hbm>>
      tpu.wait_dma2 semaphore(%arg18 : memref<!tpu.dma_semaphore, #tpu.memory_space<semaphore_mem>>) src(%dma_wait3A_296 : memref<8x50xi32, #tpu.memory_space<hbm>>) dst(%arg6 : memref<8x50xi32, #tpu.memory_space<vmem>>)
      %dma_start3A_297 = arith.constant 0 : i32
      %dma_start3A_298 = arith.constant 0 : i32
      %dma_start3A_299 = arith.constant 0 : i32
      %dma_start3A_300 = arith.constant 0 : i32
      %dma_start3A_301 = tpu.memref_slice %arg10[%dma_start3A_298, %dma_start3A_299, %dma_start3A_300] : memref<8x50x64xf32, #tpu.memory_space<vmem>> -> memref<1x50x64xf32, #tpu.memory_space<vmem>>
      %dma_start3A_302 = tpu.memref_squeeze %dma_start3A_301 : memref<1x50x64xf32, #tpu.memory_space<vmem>> -> memref<50x64xf32, #tpu.memory_space<vmem>>
      %dma_start3A_303 = arith.constant 0 : i32
      %dma_start3A_304 = tpu.memref_slice %arg6[%dma_start3A_297, %dma_start3A_303] : memref<8x50xi32, #tpu.memory_space<vmem>> -> memref<1x50xi32, #tpu.memory_space<vmem>>
      %dma_start3A_305 = tpu.memref_squeeze %dma_start3A_304 : memref<1x50xi32, #tpu.memory_space<vmem>> -> memref<50xi32, #tpu.memory_space<vmem>>
      %dma_start3A_306 = arith.constant 0 : i32
      %dma_start3A_307 = arith.constant 0 : i32
      %dma_start3A_308 = tpu.memref_slice %arg3[%dma_start3A_306, %dma_start3A_307] : memref<1000000x64xf32, #tpu.memory_space<hbm>> -> memref<1000000x64xf32, #tpu.memory_space<hbm>>
      tpu.enqueue_indirect_dma source(%dma_start3A_308 : memref<1000000x64xf32, #tpu.memory_space<hbm>>) target(%dma_start3A_302 : memref<50x64xf32, #tpu.memory_space<vmem>>) offsets(%dma_start3A_305 : memref<50xi32, #tpu.memory_space<vmem>>) semaphore(%arg14 : memref<!tpu.dma_semaphore, #tpu.memory_space<semaphore_mem>>)
      %dma_start3A_309 = arith.constant 1 : i32
      %dma_start3A_310 = arith.constant 1 : i32
      %dma_start3A_311 = arith.constant 0 : i32
      %dma_start3A_312 = arith.constant 0 : i32
      %dma_start3A_313 = tpu.memref_slice %arg10[%dma_start3A_310, %dma_start3A_311, %dma_start3A_312] : memref<8x50x64xf32, #tpu.memory_space<vmem>> -> memref<1x50x64xf32, #tpu.memory_space<vmem>>
      %dma_start3A_314 = tpu.memref_squeeze %dma_start3A_313 : memref<1x50x64xf32, #tpu.memory_space<vmem>> -> memref<50x64xf32, #tpu.memory_space<vmem>>
      %dma_start3A_315 = arith.constant 0 : i32
      %dma_start3A_316 = tpu.memref_slice %arg6[%dma_start3A_309, %dma_start3A_315] : memref<8x50xi32, #tpu.memory_space<vmem>> -> memref<1x50xi32, #tpu.memory_space<vmem>>
      %dma_start3A_317 = tpu.memref_squeeze %dma_start3A_316 : memref<1x50xi32, #tpu.memory_space<vmem>> -> memref<50xi32, #tpu.memory_space<vmem>>
      %dma_start3A_318 = arith.constant 0 : i32
      %dma_start3A_319 = arith.constant 0 : i32
      %dma_start3A_320 = tpu.memref_slice %arg3[%dma_start3A_318, %dma_start3A_319] : memref<1000000x64xf32, #tpu.memory_space<hbm>> -> memref<1000000x64xf32, #tpu.memory_space<hbm>>
      tpu.enqueue_indirect_dma source(%dma_start3A_320 : memref<1000000x64xf32, #tpu.memory_space<hbm>>) target(%dma_start3A_314 : memref<50x64xf32, #tpu.memory_space<vmem>>) offsets(%dma_start3A_317 : memref<50xi32, #tpu.memory_space<vmem>>) semaphore(%arg14 : memref<!tpu.dma_semaphore, #tpu.memory_space<semaphore_mem>>)
      %dma_start3A_321 = arith.constant 2 : i32
      %dma_start3A_322 = arith.constant 2 : i32
      %dma_start3A_323 = arith.constant 0 : i32
      %dma_start3A_324 = arith.constant 0 : i32
      %dma_start3A_325 = tpu.memref_slice %arg10[%dma_start3A_322, %dma_start3A_323, %dma_start3A_324] : memref<8x50x64xf32, #tpu.memory_space<vmem>> -> memref<1x50x64xf32, #tpu.memory_space<vmem>>
      %dma_start3A_326 = tpu.memref_squeeze %dma_start3A_325 : memref<1x50x64xf32, #tpu.memory_space<vmem>> -> memref<50x64xf32, #tpu.memory_space<vmem>>
      %dma_start3A_327 = arith.constant 0 : i32
      %dma_start3A_328 = tpu.memref_slice %arg6[%dma_start3A_321, %dma_start3A_327] : memref<8x50xi32, #tpu.memory_space<vmem>> -> memref<1x50xi32, #tpu.memory_space<vmem>>
      %dma_start3A_329 = tpu.memref_squeeze %dma_start3A_328 : memref<1x50xi32, #tpu.memory_space<vmem>> -> memref<50xi32, #tpu.memory_space<vmem>>
      %dma_start3A_330 = arith.constant 0 : i32
      %dma_start3A_331 = arith.constant 0 : i32
      %dma_start3A_332 = tpu.memref_slice %arg3[%dma_start3A_330, %dma_start3A_331] : memref<1000000x64xf32, #tpu.memory_space<hbm>> -> memref<1000000x64xf32, #tpu.memory_space<hbm>>
      tpu.enqueue_indirect_dma source(%dma_start3A_332 : memref<1000000x64xf32, #tpu.memory_space<hbm>>) target(%dma_start3A_326 : memref<50x64xf32, #tpu.memory_space<vmem>>) offsets(%dma_start3A_329 : memref<50xi32, #tpu.memory_space<vmem>>) semaphore(%arg14 : memref<!tpu.dma_semaphore, #tpu.memory_space<semaphore_mem>>)
      %dma_start3A_333 = arith.constant 3 : i32
      %dma_start3A_334 = arith.constant 3 : i32
      %dma_start3A_335 = arith.constant 0 : i32
      %dma_start3A_336 = arith.constant 0 : i32
      %dma_start3A_337 = tpu.memref_slice %arg10[%dma_start3A_334, %dma_start3A_335, %dma_start3A_336] : memref<8x50x64xf32, #tpu.memory_space<vmem>> -> memref<1x50x64xf32, #tpu.memory_space<vmem>>
      %dma_start3A_338 = tpu.memref_squeeze %dma_start3A_337 : memref<1x50x64xf32, #tpu.memory_space<vmem>> -> memref<50x64xf32, #tpu.memory_space<vmem>>
      %dma_start3A_339 = arith.constant 0 : i32
      %dma_start3A_340 = tpu.memref_slice %arg6[%dma_start3A_333, %dma_start3A_339] : memref<8x50xi32, #tpu.memory_space<vmem>> -> memref<1x50xi32, #tpu.memory_space<vmem>>
      %dma_start3A_341 = tpu.memref_squeeze %dma_start3A_340 : memref<1x50xi32, #tpu.memory_space<vmem>> -> memref<50xi32, #tpu.memory_space<vmem>>
      %dma_start3A_342 = arith.constant 0 : i32
      %dma_start3A_343 = arith.constant 0 : i32
      %dma_start3A_344 = tpu.memref_slice %arg3[%dma_start3A_342, %dma_start3A_343] : memref<1000000x64xf32, #tpu.memory_space<hbm>> -> memref<1000000x64xf32, #tpu.memory_space<hbm>>
      tpu.enqueue_indirect_dma source(%dma_start3A_344 : memref<1000000x64xf32, #tpu.memory_space<hbm>>) target(%dma_start3A_338 : memref<50x64xf32, #tpu.memory_space<vmem>>) offsets(%dma_start3A_341 : memref<50xi32, #tpu.memory_space<vmem>>) semaphore(%arg14 : memref<!tpu.dma_semaphore, #tpu.memory_space<semaphore_mem>>)
      %dma_start3A_345 = arith.constant 4 : i32
      %dma_start3A_346 = arith.constant 4 : i32
      %dma_start3A_347 = arith.constant 0 : i32
      %dma_start3A_348 = arith.constant 0 : i32
      %dma_start3A_349 = tpu.memref_slice %arg10[%dma_start3A_346, %dma_start3A_347, %dma_start3A_348] : memref<8x50x64xf32, #tpu.memory_space<vmem>> -> memref<1x50x64xf32, #tpu.memory_space<vmem>>
      %dma_start3A_350 = tpu.memref_squeeze %dma_start3A_349 : memref<1x50x64xf32, #tpu.memory_space<vmem>> -> memref<50x64xf32, #tpu.memory_space<vmem>>
      %dma_start3A_351 = arith.constant 0 : i32
      %dma_start3A_352 = tpu.memref_slice %arg6[%dma_start3A_345, %dma_start3A_351] : memref<8x50xi32, #tpu.memory_space<vmem>> -> memref<1x50xi32, #tpu.memory_space<vmem>>
      %dma_start3A_353 = tpu.memref_squeeze %dma_start3A_352 : memref<1x50xi32, #tpu.memory_space<vmem>> -> memref<50xi32, #tpu.memory_space<vmem>>
      %dma_start3A_354 = arith.constant 0 : i32
      %dma_start3A_355 = arith.constant 0 : i32
      %dma_start3A_356 = tpu.memref_slice %arg3[%dma_start3A_354, %dma_start3A_355] : memref<1000000x64xf32, #tpu.memory_space<hbm>> -> memref<1000000x64xf32, #tpu.memory_space<hbm>>
      tpu.enqueue_indirect_dma source(%dma_start3A_356 : memref<1000000x64xf32, #tpu.memory_space<hbm>>) target(%dma_start3A_350 : memref<50x64xf32, #tpu.memory_space<vmem>>) offsets(%dma_start3A_353 : memref<50xi32, #tpu.memory_space<vmem>>) semaphore(%arg14 : memref<!tpu.dma_semaphore, #tpu.memory_space<semaphore_mem>>)
      %dma_start3A_357 = arith.constant 5 : i32
      %dma_start3A_358 = arith.constant 5 : i32
      %dma_start3A_359 = arith.constant 0 : i32
      %dma_start3A_360 = arith.constant 0 : i32
      %dma_start3A_361 = tpu.memref_slice %arg10[%dma_start3A_358, %dma_start3A_359, %dma_start3A_360] : memref<8x50x64xf32, #tpu.memory_space<vmem>> -> memref<1x50x64xf32, #tpu.memory_space<vmem>>
      %dma_start3A_362 = tpu.memref_squeeze %dma_start3A_361 : memref<1x50x64xf32, #tpu.memory_space<vmem>> -> memref<50x64xf32, #tpu.memory_space<vmem>>
      %dma_start3A_363 = arith.constant 0 : i32
      %dma_start3A_364 = tpu.memref_slice %arg6[%dma_start3A_357, %dma_start3A_363] : memref<8x50xi32, #tpu.memory_space<vmem>> -> memref<1x50xi32, #tpu.memory_space<vmem>>
      %dma_start3A_365 = tpu.memref_squeeze %dma_start3A_364 : memref<1x50xi32, #tpu.memory_space<vmem>> -> memref<50xi32, #tpu.memory_space<vmem>>
      %dma_start3A_366 = arith.constant 0 : i32
      %dma_start3A_367 = arith.constant 0 : i32
      %dma_start3A_368 = tpu.memref_slice %arg3[%dma_start3A_366, %dma_start3A_367] : memref<1000000x64xf32, #tpu.memory_space<hbm>> -> memref<1000000x64xf32, #tpu.memory_space<hbm>>
      tpu.enqueue_indirect_dma source(%dma_start3A_368 : memref<1000000x64xf32, #tpu.memory_space<hbm>>) target(%dma_start3A_362 : memref<50x64xf32, #tpu.memory_space<vmem>>) offsets(%dma_start3A_365 : memref<50xi32, #tpu.memory_space<vmem>>) semaphore(%arg14 : memref<!tpu.dma_semaphore, #tpu.memory_space<semaphore_mem>>)
      %dma_start3A_369 = arith.constant 6 : i32
      %dma_start3A_370 = arith.constant 6 : i32
      %dma_start3A_371 = arith.constant 0 : i32
      %dma_start3A_372 = arith.constant 0 : i32
      %dma_start3A_373 = tpu.memref_slice %arg10[%dma_start3A_370, %dma_start3A_371, %dma_start3A_372] : memref<8x50x64xf32, #tpu.memory_space<vmem>> -> memref<1x50x64xf32, #tpu.memory_space<vmem>>
      %dma_start3A_374 = tpu.memref_squeeze %dma_start3A_373 : memref<1x50x64xf32, #tpu.memory_space<vmem>> -> memref<50x64xf32, #tpu.memory_space<vmem>>
      %dma_start3A_375 = arith.constant 0 : i32
      %dma_start3A_376 = tpu.memref_slice %arg6[%dma_start3A_369, %dma_start3A_375] : memref<8x50xi32, #tpu.memory_space<vmem>> -> memref<1x50xi32, #tpu.memory_space<vmem>>
      %dma_start3A_377 = tpu.memref_squeeze %dma_start3A_376 : memref<1x50xi32, #tpu.memory_space<vmem>> -> memref<50xi32, #tpu.memory_space<vmem>>
      %dma_start3A_378 = arith.constant 0 : i32
      %dma_start3A_379 = arith.constant 0 : i32
      %dma_start3A_380 = tpu.memref_slice %arg3[%dma_start3A_378, %dma_start3A_379] : memref<1000000x64xf32, #tpu.memory_space<hbm>> -> memref<1000000x64xf32, #tpu.memory_space<hbm>>
      tpu.enqueue_indirect_dma source(%dma_start3A_380 : memref<1000000x64xf32, #tpu.memory_space<hbm>>) target(%dma_start3A_374 : memref<50x64xf32, #tpu.memory_space<vmem>>) offsets(%dma_start3A_377 : memref<50xi32, #tpu.memory_space<vmem>>) semaphore(%arg14 : memref<!tpu.dma_semaphore, #tpu.memory_space<semaphore_mem>>)
      %dma_start3A_381 = arith.constant 7 : i32
      %dma_start3A_382 = arith.constant 7 : i32
      %dma_start3A_383 = arith.constant 0 : i32
      %dma_start3A_384 = arith.constant 0 : i32
      %dma_start3A_385 = tpu.memref_slice %arg10[%dma_start3A_382, %dma_start3A_383, %dma_start3A_384] : memref<8x50x64xf32, #tpu.memory_space<vmem>> -> memref<1x50x64xf32, #tpu.memory_space<vmem>>
      %dma_start3A_386 = tpu.memref_squeeze %dma_start3A_385 : memref<1x50x64xf32, #tpu.memory_space<vmem>> -> memref<50x64xf32, #tpu.memory_space<vmem>>
      %dma_start3A_387 = arith.constant 0 : i32
      %dma_start3A_388 = tpu.memref_slice %arg6[%dma_start3A_381, %dma_start3A_387] : memref<8x50xi32, #tpu.memory_space<vmem>> -> memref<1x50xi32, #tpu.memory_space<vmem>>
      %dma_start3A_389 = tpu.memref_squeeze %dma_start3A_388 : memref<1x50xi32, #tpu.memory_space<vmem>> -> memref<50xi32, #tpu.memory_space<vmem>>
      %dma_start3A_390 = arith.constant 0 : i32
      %dma_start3A_391 = arith.constant 0 : i32
      %dma_start3A_392 = tpu.memref_slice %arg3[%dma_start3A_390, %dma_start3A_391] : memref<1000000x64xf32, #tpu.memory_space<hbm>> -> memref<1000000x64xf32, #tpu.memory_space<hbm>>
      tpu.enqueue_indirect_dma source(%dma_start3A_392 : memref<1000000x64xf32, #tpu.memory_space<hbm>>) target(%dma_start3A_386 : memref<50x64xf32, #tpu.memory_space<vmem>>) offsets(%dma_start3A_389 : memref<50xi32, #tpu.memory_space<vmem>>) semaphore(%arg14 : memref<!tpu.dma_semaphore, #tpu.memory_space<semaphore_mem>>)
      %gt3A_393 = arith.constant 0 : i32
      %gt3A_394 = arith.cmpi sgt, %add3A_284, %gt3A_393 : i32
      %convert_element_type3A_395 = arith.extui %gt3A_394 : i1 to i32
      %cond3A_396 = arith.constant 0 : i32
      %cond3A_397 = arith.cmpi ne, %convert_element_type3A_395, %cond3A_396 : i32
      scf.if %cond3A_397 {
        %dma_wait3A_632 = arith.constant 0 : i32
        %dma_wait3A_633 = arith.constant 0 : i32
        %dma_wait3A_634 = arith.constant 0 : i32
        %dma_wait3A_635 = arith.constant 0 : i32
        %dma_wait3A_636 = tpu.memref_slice %arg9[%dma_wait3A_633, %dma_wait3A_634, %dma_wait3A_635] : memref<8x50x64xf32, #tpu.memory_space<vmem>> -> memref<1x50x64xf32, #tpu.memory_space<vmem>>
        %dma_wait3A_637 = tpu.memref_squeeze %dma_wait3A_636 : memref<1x50x64xf32, #tpu.memory_space<vmem>> -> memref<50x64xf32, #tpu.memory_space<vmem>>
        %dma_wait3A_638 = arith.constant 0 : i32
        %dma_wait3A_639 = tpu.memref_slice %arg5[%dma_wait3A_632, %dma_wait3A_638] : memref<8x50xi32, #tpu.memory_space<vmem>> -> memref<1x50xi32, #tpu.memory_space<vmem>>
        %dma_wait3A_640 = tpu.memref_squeeze %dma_wait3A_639 : memref<1x50xi32, #tpu.memory_space<vmem>> -> memref<50xi32, #tpu.memory_space<vmem>>
        %dma_wait3A_641 = arith.constant 0 : i32
        %dma_wait3A_642 = arith.constant 0 : i32
        %dma_wait3A_643 = tpu.memref_slice %arg3[%dma_wait3A_641, %dma_wait3A_642] : memref<1000000x64xf32, #tpu.memory_space<hbm>> -> memref<1000000x64xf32, #tpu.memory_space<hbm>>
        tpu.wait_indirect_dma semaphore(%arg13 : memref<!tpu.dma_semaphore, #tpu.memory_space<semaphore_mem>>) src(%dma_wait3A_643 : memref<1000000x64xf32, #tpu.memory_space<hbm>>) dst(%dma_wait3A_637 : memref<50x64xf32, #tpu.memory_space<vmem>>)
        %dma_wait3A_644 = arith.constant 1 : i32
        %dma_wait3A_645 = arith.constant 1 : i32
        %dma_wait3A_646 = arith.constant 0 : i32
        %dma_wait3A_647 = arith.constant 0 : i32
        %dma_wait3A_648 = tpu.memref_slice %arg9[%dma_wait3A_645, %dma_wait3A_646, %dma_wait3A_647] : memref<8x50x64xf32, #tpu.memory_space<vmem>> -> memref<1x50x64xf32, #tpu.memory_space<vmem>>
        %dma_wait3A_649 = tpu.memref_squeeze %dma_wait3A_648 : memref<1x50x64xf32, #tpu.memory_space<vmem>> -> memref<50x64xf32, #tpu.memory_space<vmem>>
        %dma_wait3A_650 = arith.constant 0 : i32
        %dma_wait3A_651 = tpu.memref_slice %arg5[%dma_wait3A_644, %dma_wait3A_650] : memref<8x50xi32, #tpu.memory_space<vmem>> -> memref<1x50xi32, #tpu.memory_space<vmem>>
        %dma_wait3A_652 = tpu.memref_squeeze %dma_wait3A_651 : memref<1x50xi32, #tpu.memory_space<vmem>> -> memref<50xi32, #tpu.memory_space<vmem>>
        %dma_wait3A_653 = arith.constant 0 : i32
        %dma_wait3A_654 = arith.constant 0 : i32
        %dma_wait3A_655 = tpu.memref_slice %arg3[%dma_wait3A_653, %dma_wait3A_654] : memref<1000000x64xf32, #tpu.memory_space<hbm>> -> memref<1000000x64xf32, #tpu.memory_space<hbm>>
        tpu.wait_indirect_dma semaphore(%arg13 : memref<!tpu.dma_semaphore, #tpu.memory_space<semaphore_mem>>) src(%dma_wait3A_655 : memref<1000000x64xf32, #tpu.memory_space<hbm>>) dst(%dma_wait3A_649 : memref<50x64xf32, #tpu.memory_space<vmem>>)
        %dma_wait3A_656 = arith.constant 2 : i32
        %dma_wait3A_657 = arith.constant 2 : i32
        %dma_wait3A_658 = arith.constant 0 : i32
        %dma_wait3A_659 = arith.constant 0 : i32
        %dma_wait3A_660 = tpu.memref_slice %arg9[%dma_wait3A_657, %dma_wait3A_658, %dma_wait3A_659] : memref<8x50x64xf32, #tpu.memory_space<vmem>> -> memref<1x50x64xf32, #tpu.memory_space<vmem>>
        %dma_wait3A_661 = tpu.memref_squeeze %dma_wait3A_660 : memref<1x50x64xf32, #tpu.memory_space<vmem>> -> memref<50x64xf32, #tpu.memory_space<vmem>>
        %dma_wait3A_662 = arith.constant 0 : i32
        %dma_wait3A_663 = tpu.memref_slice %arg5[%dma_wait3A_656, %dma_wait3A_662] : memref<8x50xi32, #tpu.memory_space<vmem>> -> memref<1x50xi32, #tpu.memory_space<vmem>>
        %dma_wait3A_664 = tpu.memref_squeeze %dma_wait3A_663 : memref<1x50xi32, #tpu.memory_space<vmem>> -> memref<50xi32, #tpu.memory_space<vmem>>
        %dma_wait3A_665 = arith.constant 0 : i32
        %dma_wait3A_666 = arith.constant 0 : i32
        %dma_wait3A_667 = tpu.memref_slice %arg3[%dma_wait3A_665, %dma_wait3A_666] : memref<1000000x64xf32, #tpu.memory_space<hbm>> -> memref<1000000x64xf32, #tpu.memory_space<hbm>>
        tpu.wait_indirect_dma semaphore(%arg13 : memref<!tpu.dma_semaphore, #tpu.memory_space<semaphore_mem>>) src(%dma_wait3A_667 : memref<1000000x64xf32, #tpu.memory_space<hbm>>) dst(%dma_wait3A_661 : memref<50x64xf32, #tpu.memory_space<vmem>>)
        %dma_wait3A_668 = arith.constant 3 : i32
        %dma_wait3A_669 = arith.constant 3 : i32
        %dma_wait3A_670 = arith.constant 0 : i32
        %dma_wait3A_671 = arith.constant 0 : i32
        %dma_wait3A_672 = tpu.memref_slice %arg9[%dma_wait3A_669, %dma_wait3A_670, %dma_wait3A_671] : memref<8x50x64xf32, #tpu.memory_space<vmem>> -> memref<1x50x64xf32, #tpu.memory_space<vmem>>
        %dma_wait3A_673 = tpu.memref_squeeze %dma_wait3A_672 : memref<1x50x64xf32, #tpu.memory_space<vmem>> -> memref<50x64xf32, #tpu.memory_space<vmem>>
        %dma_wait3A_674 = arith.constant 0 : i32
        %dma_wait3A_675 = tpu.memref_slice %arg5[%dma_wait3A_668, %dma_wait3A_674] : memref<8x50xi32, #tpu.memory_space<vmem>> -> memref<1x50xi32, #tpu.memory_space<vmem>>
        %dma_wait3A_676 = tpu.memref_squeeze %dma_wait3A_675 : memref<1x50xi32, #tpu.memory_space<vmem>> -> memref<50xi32, #tpu.memory_space<vmem>>
        %dma_wait3A_677 = arith.constant 0 : i32
        %dma_wait3A_678 = arith.constant 0 : i32
        %dma_wait3A_679 = tpu.memref_slice %arg3[%dma_wait3A_677, %dma_wait3A_678] : memref<1000000x64xf32, #tpu.memory_space<hbm>> -> memref<1000000x64xf32, #tpu.memory_space<hbm>>
        tpu.wait_indirect_dma semaphore(%arg13 : memref<!tpu.dma_semaphore, #tpu.memory_space<semaphore_mem>>) src(%dma_wait3A_679 : memref<1000000x64xf32, #tpu.memory_space<hbm>>) dst(%dma_wait3A_673 : memref<50x64xf32, #tpu.memory_space<vmem>>)
        %dma_wait3A_680 = arith.constant 4 : i32
        %dma_wait3A_681 = arith.constant 4 : i32
        %dma_wait3A_682 = arith.constant 0 : i32
        %dma_wait3A_683 = arith.constant 0 : i32
        %dma_wait3A_684 = tpu.memref_slice %arg9[%dma_wait3A_681, %dma_wait3A_682, %dma_wait3A_683] : memref<8x50x64xf32, #tpu.memory_space<vmem>> -> memref<1x50x64xf32, #tpu.memory_space<vmem>>
        %dma_wait3A_685 = tpu.memref_squeeze %dma_wait3A_684 : memref<1x50x64xf32, #tpu.memory_space<vmem>> -> memref<50x64xf32, #tpu.memory_space<vmem>>
        %dma_wait3A_686 = arith.constant 0 : i32
        %dma_wait3A_687 = tpu.memref_slice %arg5[%dma_wait3A_680, %dma_wait3A_686] : memref<8x50xi32, #tpu.memory_space<vmem>> -> memref<1x50xi32, #tpu.memory_space<vmem>>
        %dma_wait3A_688 = tpu.memref_squeeze %dma_wait3A_687 : memref<1x50xi32, #tpu.memory_space<vmem>> -> memref<50xi32, #tpu.memory_space<vmem>>
        %dma_wait3A_689 = arith.constant 0 : i32
        %dma_wait3A_690 = arith.constant 0 : i32
        %dma_wait3A_691 = tpu.memref_slice %arg3[%dma_wait3A_689, %dma_wait3A_690] : memref<1000000x64xf32, #tpu.memory_space<hbm>> -> memref<1000000x64xf32, #tpu.memory_space<hbm>>
        tpu.wait_indirect_dma semaphore(%arg13 : memref<!tpu.dma_semaphore, #tpu.memory_space<semaphore_mem>>) src(%dma_wait3A_691 : memref<1000000x64xf32, #tpu.memory_space<hbm>>) dst(%dma_wait3A_685 : memref<50x64xf32, #tpu.memory_space<vmem>>)
        %dma_wait3A_692 = arith.constant 5 : i32
        %dma_wait3A_693 = arith.constant 5 : i32
        %dma_wait3A_694 = arith.constant 0 : i32
        %dma_wait3A_695 = arith.constant 0 : i32
        %dma_wait3A_696 = tpu.memref_slice %arg9[%dma_wait3A_693, %dma_wait3A_694, %dma_wait3A_695] : memref<8x50x64xf32, #tpu.memory_space<vmem>> -> memref<1x50x64xf32, #tpu.memory_space<vmem>>
        %dma_wait3A_697 = tpu.memref_squeeze %dma_wait3A_696 : memref<1x50x64xf32, #tpu.memory_space<vmem>> -> memref<50x64xf32, #tpu.memory_space<vmem>>
        %dma_wait3A_698 = arith.constant 0 : i32
        %dma_wait3A_699 = tpu.memref_slice %arg5[%dma_wait3A_692, %dma_wait3A_698] : memref<8x50xi32, #tpu.memory_space<vmem>> -> memref<1x50xi32, #tpu.memory_space<vmem>>
        %dma_wait3A_700 = tpu.memref_squeeze %dma_wait3A_699 : memref<1x50xi32, #tpu.memory_space<vmem>> -> memref<50xi32, #tpu.memory_space<vmem>>
        %dma_wait3A_701 = arith.constant 0 : i32
        %dma_wait3A_702 = arith.constant 0 : i32
        %dma_wait3A_703 = tpu.memref_slice %arg3[%dma_wait3A_701, %dma_wait3A_702] : memref<1000000x64xf32, #tpu.memory_space<hbm>> -> memref<1000000x64xf32, #tpu.memory_space<hbm>>
        tpu.wait_indirect_dma semaphore(%arg13 : memref<!tpu.dma_semaphore, #tpu.memory_space<semaphore_mem>>) src(%dma_wait3A_703 : memref<1000000x64xf32, #tpu.memory_space<hbm>>) dst(%dma_wait3A_697 : memref<50x64xf32, #tpu.memory_space<vmem>>)
        %dma_wait3A_704 = arith.constant 6 : i32
        %dma_wait3A_705 = arith.constant 6 : i32
        %dma_wait3A_706 = arith.constant 0 : i32
        %dma_wait3A_707 = arith.constant 0 : i32
        %dma_wait3A_708 = tpu.memref_slice %arg9[%dma_wait3A_705, %dma_wait3A_706, %dma_wait3A_707] : memref<8x50x64xf32, #tpu.memory_space<vmem>> -> memref<1x50x64xf32, #tpu.memory_space<vmem>>
        %dma_wait3A_709 = tpu.memref_squeeze %dma_wait3A_708 : memref<1x50x64xf32, #tpu.memory_space<vmem>> -> memref<50x64xf32, #tpu.memory_space<vmem>>
        %dma_wait3A_710 = arith.constant 0 : i32
        %dma_wait3A_711 = tpu.memref_slice %arg5[%dma_wait3A_704, %dma_wait3A_710] : memref<8x50xi32, #tpu.memory_space<vmem>> -> memref<1x50xi32, #tpu.memory_space<vmem>>
        %dma_wait3A_712 = tpu.memref_squeeze %dma_wait3A_711 : memref<1x50xi32, #tpu.memory_space<vmem>> -> memref<50xi32, #tpu.memory_space<vmem>>
        %dma_wait3A_713 = arith.constant 0 : i32
        %dma_wait3A_714 = arith.constant 0 : i32
        %dma_wait3A_715 = tpu.memref_slice %arg3[%dma_wait3A_713, %dma_wait3A_714] : memref<1000000x64xf32, #tpu.memory_space<hbm>> -> memref<1000000x64xf32, #tpu.memory_space<hbm>>
        tpu.wait_indirect_dma semaphore(%arg13 : memref<!tpu.dma_semaphore, #tpu.memory_space<semaphore_mem>>) src(%dma_wait3A_715 : memref<1000000x64xf32, #tpu.memory_space<hbm>>) dst(%dma_wait3A_709 : memref<50x64xf32, #tpu.memory_space<vmem>>)
        %dma_wait3A_716 = arith.constant 7 : i32
        %dma_wait3A_717 = arith.constant 7 : i32
        %dma_wait3A_718 = arith.constant 0 : i32
        %dma_wait3A_719 = arith.constant 0 : i32
        %dma_wait3A_720 = tpu.memref_slice %arg9[%dma_wait3A_717, %dma_wait3A_718, %dma_wait3A_719] : memref<8x50x64xf32, #tpu.memory_space<vmem>> -> memref<1x50x64xf32, #tpu.memory_space<vmem>>
        %dma_wait3A_721 = tpu.memref_squeeze %dma_wait3A_720 : memref<1x50x64xf32, #tpu.memory_space<vmem>> -> memref<50x64xf32, #tpu.memory_space<vmem>>
        %dma_wait3A_722 = arith.constant 0 : i32
        %dma_wait3A_723 = tpu.memref_slice %arg5[%dma_wait3A_716, %dma_wait3A_722] : memref<8x50xi32, #tpu.memory_space<vmem>> -> memref<1x50xi32, #tpu.memory_space<vmem>>
        %dma_wait3A_724 = tpu.memref_squeeze %dma_wait3A_723 : memref<1x50xi32, #tpu.memory_space<vmem>> -> memref<50xi32, #tpu.memory_space<vmem>>
        %dma_wait3A_725 = arith.constant 0 : i32
        %dma_wait3A_726 = arith.constant 0 : i32
        %dma_wait3A_727 = tpu.memref_slice %arg3[%dma_wait3A_725, %dma_wait3A_726] : memref<1000000x64xf32, #tpu.memory_space<hbm>> -> memref<1000000x64xf32, #tpu.memory_space<hbm>>
        tpu.wait_indirect_dma semaphore(%arg13 : memref<!tpu.dma_semaphore, #tpu.memory_space<semaphore_mem>>) src(%dma_wait3A_727 : memref<1000000x64xf32, #tpu.memory_space<hbm>>) dst(%dma_wait3A_721 : memref<50x64xf32, #tpu.memory_space<vmem>>)
        %sub3A = arith.constant 1 : i32
        %sub3A_728 = arith.subi %add3A_284, %sub3A : i32
        %mul3A_729 = arith.constant 8 : i32
        %mul3A_730 = arith.muli %sub3A_728, %mul3A_729 : i32
        %add3A_731 = arith.addi %mul3A_2, %mul3A_730 : i32
        %dma_start3A_732 = arith.constant 0 : i32
        %dma_start3A_733 = arith.constant 0 : i32
        %dma_start3A_734 = tpu.memref_slice %arg4[%add3A_731, %dma_start3A_732, %dma_start3A_733] : memref<16384x56x128xf32, #tpu.memory_space<hbm>> -> memref<8x50x64xf32, #tpu.memory_space<hbm>>
        %dma_start3A_735 = arith.constant 0 : i32
        %dma_start3A_736 = arith.constant 0 : i32
        %dma_start3A_737 = tpu.memref_slice %arg4[%add3A_731, %dma_start3A_735, %dma_start3A_736] : memref<16384x56x128xf32, #tpu.memory_space<hbm>> -> memref<8x50x64xf32, #tpu.memory_space<hbm>>
        tpu.enqueue_dma source(%arg9 : memref<8x50x64xf32, #tpu.memory_space<vmem>>) target(%dma_start3A_737 : memref<8x50x64xf32, #tpu.memory_space<hbm>>) target_semaphore(%arg21 : memref<!tpu.dma_semaphore, #tpu.memory_space<semaphore_mem>>)
        %add3A_738 = arith.constant 4 : i32
        %add3A_739 = arith.addi %add3A_284, %add3A_738 : i32
        %sub3A_740 = arith.constant 1 : i32
        %sub3A_741 = arith.subi %add3A_739, %sub3A_740 : i32
        %lt3A = arith.constant 64 : i32
        %lt3A_742 = arith.cmpi slt, %sub3A_741, %lt3A : i32
        %convert_element_type3A_743 = arith.extui %lt3A_742 : i1 to i32
        %cond3A_744 = arith.constant 0 : i32
        %cond3A_745 = arith.cmpi ne, %convert_element_type3A_743, %cond3A_744 : i32
        scf.if %cond3A_745 {
          %add3A_746 = arith.constant 4 : i32
          %add3A_747 = arith.addi %add3A_284, %add3A_746 : i32
          %sub3A_748 = arith.constant 1 : i32
          %sub3A_749 = arith.subi %add3A_747, %sub3A_748 : i32
          %mul3A_750 = arith.constant 8 : i32
          %mul3A_751 = arith.muli %sub3A_749, %mul3A_750 : i32
          %add3A_752 = arith.addi %mul3A_2, %mul3A_751 : i32
          %dma_start3A_753 = arith.constant 0 : i32
          %dma_start3A_754 = tpu.memref_slice %arg2[%add3A_752, %dma_start3A_753] : memref<16384x50xi32, #tpu.memory_space<hbm>> -> memref<8x50xi32, #tpu.memory_space<hbm>>
          %dma_start3A_755 = arith.constant 0 : i32
          %dma_start3A_756 = tpu.memref_slice %arg2[%add3A_752, %dma_start3A_755] : memref<16384x50xi32, #tpu.memory_space<hbm>> -> memref<8x50xi32, #tpu.memory_space<hbm>>
          tpu.enqueue_dma source(%dma_start3A_756 : memref<8x50xi32, #tpu.memory_space<hbm>>) target(%arg5 : memref<8x50xi32, #tpu.memory_space<vmem>>) target_semaphore(%arg17 : memref<!tpu.dma_semaphore, #tpu.memory_space<semaphore_mem>>)
        } else {
        }
      } else {
      }
      %mul3A_398 = arith.constant 4 : i32
      %mul3A_399 = arith.muli %scan3A_166, %mul3A_398 : i32
      %add3A_400 = arith.constant 2 : i32
      %add3A_401 = arith.addi %mul3A_399, %add3A_400 : i32
      %gt3A_402 = arith.constant 0 : i32
      %gt3A_403 = arith.cmpi sgt, %scan3A_166, %gt3A_402 : i32
      %convert_element_type3A_404 = arith.extui %gt3A_403 : i1 to i32
      %cond3A_405 = arith.constant 0 : i32
      %cond3A_406 = arith.cmpi ne, %convert_element_type3A_404, %cond3A_405 : i32
      scf.if %cond3A_406 {
        %sub3A = arith.constant 4 : i32
        %sub3A_632 = arith.subi %add3A_401, %sub3A : i32
        %mul3A_633 = arith.constant 8 : i32
        %mul3A_634 = arith.muli %sub3A_632, %mul3A_633 : i32
        %add3A_635 = arith.addi %mul3A_2, %mul3A_634 : i32
        %dma_wait3A_636 = arith.constant 0 : i32
        %dma_wait3A_637 = arith.constant 0 : i32
        %dma_wait3A_638 = tpu.memref_slice %arg4[%add3A_635, %dma_wait3A_636, %dma_wait3A_637] : memref<16384x56x128xf32, #tpu.memory_space<hbm>> -> memref<8x50x64xf32, #tpu.memory_space<hbm>>
        %dma_wait3A_639 = arith.constant 0 : i32
        %dma_wait3A_640 = arith.constant 0 : i32
        %dma_wait3A_641 = tpu.memref_slice %arg4[%add3A_635, %dma_wait3A_639, %dma_wait3A_640] : memref<16384x56x128xf32, #tpu.memory_space<hbm>> -> memref<8x50x64xf32, #tpu.memory_space<hbm>>
        tpu.wait_dma2 semaphore(%arg23 : memref<!tpu.dma_semaphore, #tpu.memory_space<semaphore_mem>>) src(%arg11 : memref<8x50x64xf32, #tpu.memory_space<vmem>>) dst(%dma_wait3A_641 : memref<8x50x64xf32, #tpu.memory_space<hbm>>)
      } else {
      }
      %mul3A_407 = arith.constant 8 : i32
      %mul3A_408 = arith.muli %add3A_401, %mul3A_407 : i32
      %add3A_409 = arith.addi %mul3A_2, %mul3A_408 : i32
      %dma_wait3A_410 = arith.constant 0 : i32
      %dma_wait3A_411 = tpu.memref_slice %arg2[%add3A_409, %dma_wait3A_410] : memref<16384x50xi32, #tpu.memory_space<hbm>> -> memref<8x50xi32, #tpu.memory_space<hbm>>
      %dma_wait3A_412 = arith.constant 0 : i32
      %dma_wait3A_413 = tpu.memref_slice %arg2[%add3A_409, %dma_wait3A_412] : memref<16384x50xi32, #tpu.memory_space<hbm>> -> memref<8x50xi32, #tpu.memory_space<hbm>>
      tpu.wait_dma2 semaphore(%arg19 : memref<!tpu.dma_semaphore, #tpu.memory_space<semaphore_mem>>) src(%dma_wait3A_413 : memref<8x50xi32, #tpu.memory_space<hbm>>) dst(%arg7 : memref<8x50xi32, #tpu.memory_space<vmem>>)
      %dma_start3A_414 = arith.constant 0 : i32
      %dma_start3A_415 = arith.constant 0 : i32
      %dma_start3A_416 = arith.constant 0 : i32
      %dma_start3A_417 = arith.constant 0 : i32
      %dma_start3A_418 = tpu.memref_slice %arg11[%dma_start3A_415, %dma_start3A_416, %dma_start3A_417] : memref<8x50x64xf32, #tpu.memory_space<vmem>> -> memref<1x50x64xf32, #tpu.memory_space<vmem>>
      %dma_start3A_419 = tpu.memref_squeeze %dma_start3A_418 : memref<1x50x64xf32, #tpu.memory_space<vmem>> -> memref<50x64xf32, #tpu.memory_space<vmem>>
      %dma_start3A_420 = arith.constant 0 : i32
      %dma_start3A_421 = tpu.memref_slice %arg7[%dma_start3A_414, %dma_start3A_420] : memref<8x50xi32, #tpu.memory_space<vmem>> -> memref<1x50xi32, #tpu.memory_space<vmem>>
      %dma_start3A_422 = tpu.memref_squeeze %dma_start3A_421 : memref<1x50xi32, #tpu.memory_space<vmem>> -> memref<50xi32, #tpu.memory_space<vmem>>
      %dma_start3A_423 = arith.constant 0 : i32
      %dma_start3A_424 = arith.constant 0 : i32
      %dma_start3A_425 = tpu.memref_slice %arg3[%dma_start3A_423, %dma_start3A_424] : memref<1000000x64xf32, #tpu.memory_space<hbm>> -> memref<1000000x64xf32, #tpu.memory_space<hbm>>
      tpu.enqueue_indirect_dma source(%dma_start3A_425 : memref<1000000x64xf32, #tpu.memory_space<hbm>>) target(%dma_start3A_419 : memref<50x64xf32, #tpu.memory_space<vmem>>) offsets(%dma_start3A_422 : memref<50xi32, #tpu.memory_space<vmem>>) semaphore(%arg15 : memref<!tpu.dma_semaphore, #tpu.memory_space<semaphore_mem>>)
      %dma_start3A_426 = arith.constant 1 : i32
      %dma_start3A_427 = arith.constant 1 : i32
      %dma_start3A_428 = arith.constant 0 : i32
      %dma_start3A_429 = arith.constant 0 : i32
      %dma_start3A_430 = tpu.memref_slice %arg11[%dma_start3A_427, %dma_start3A_428, %dma_start3A_429] : memref<8x50x64xf32, #tpu.memory_space<vmem>> -> memref<1x50x64xf32, #tpu.memory_space<vmem>>
      %dma_start3A_431 = tpu.memref_squeeze %dma_start3A_430 : memref<1x50x64xf32, #tpu.memory_space<vmem>> -> memref<50x64xf32, #tpu.memory_space<vmem>>
      %dma_start3A_432 = arith.constant 0 : i32
      %dma_start3A_433 = tpu.memref_slice %arg7[%dma_start3A_426, %dma_start3A_432] : memref<8x50xi32, #tpu.memory_space<vmem>> -> memref<1x50xi32, #tpu.memory_space<vmem>>
      %dma_start3A_434 = tpu.memref_squeeze %dma_start3A_433 : memref<1x50xi32, #tpu.memory_space<vmem>> -> memref<50xi32, #tpu.memory_space<vmem>>
      %dma_start3A_435 = arith.constant 0 : i32
      %dma_start3A_436 = arith.constant 0 : i32
      %dma_start3A_437 = tpu.memref_slice %arg3[%dma_start3A_435, %dma_start3A_436] : memref<1000000x64xf32, #tpu.memory_space<hbm>> -> memref<1000000x64xf32, #tpu.memory_space<hbm>>
      tpu.enqueue_indirect_dma source(%dma_start3A_437 : memref<1000000x64xf32, #tpu.memory_space<hbm>>) target(%dma_start3A_431 : memref<50x64xf32, #tpu.memory_space<vmem>>) offsets(%dma_start3A_434 : memref<50xi32, #tpu.memory_space<vmem>>) semaphore(%arg15 : memref<!tpu.dma_semaphore, #tpu.memory_space<semaphore_mem>>)
      %dma_start3A_438 = arith.constant 2 : i32
      %dma_start3A_439 = arith.constant 2 : i32
      %dma_start3A_440 = arith.constant 0 : i32
      %dma_start3A_441 = arith.constant 0 : i32
      %dma_start3A_442 = tpu.memref_slice %arg11[%dma_start3A_439, %dma_start3A_440, %dma_start3A_441] : memref<8x50x64xf32, #tpu.memory_space<vmem>> -> memref<1x50x64xf32, #tpu.memory_space<vmem>>
      %dma_start3A_443 = tpu.memref_squeeze %dma_start3A_442 : memref<1x50x64xf32, #tpu.memory_space<vmem>> -> memref<50x64xf32, #tpu.memory_space<vmem>>
      %dma_start3A_444 = arith.constant 0 : i32
      %dma_start3A_445 = tpu.memref_slice %arg7[%dma_start3A_438, %dma_start3A_444] : memref<8x50xi32, #tpu.memory_space<vmem>> -> memref<1x50xi32, #tpu.memory_space<vmem>>
      %dma_start3A_446 = tpu.memref_squeeze %dma_start3A_445 : memref<1x50xi32, #tpu.memory_space<vmem>> -> memref<50xi32, #tpu.memory_space<vmem>>
      %dma_start3A_447 = arith.constant 0 : i32
      %dma_start3A_448 = arith.constant 0 : i32
      %dma_start3A_449 = tpu.memref_slice %arg3[%dma_start3A_447, %dma_start3A_448] : memref<1000000x64xf32, #tpu.memory_space<hbm>> -> memref<1000000x64xf32, #tpu.memory_space<hbm>>
      tpu.enqueue_indirect_dma source(%dma_start3A_449 : memref<1000000x64xf32, #tpu.memory_space<hbm>>) target(%dma_start3A_443 : memref<50x64xf32, #tpu.memory_space<vmem>>) offsets(%dma_start3A_446 : memref<50xi32, #tpu.memory_space<vmem>>) semaphore(%arg15 : memref<!tpu.dma_semaphore, #tpu.memory_space<semaphore_mem>>)
      %dma_start3A_450 = arith.constant 3 : i32
      %dma_start3A_451 = arith.constant 3 : i32
      %dma_start3A_452 = arith.constant 0 : i32
      %dma_start3A_453 = arith.constant 0 : i32
      %dma_start3A_454 = tpu.memref_slice %arg11[%dma_start3A_451, %dma_start3A_452, %dma_start3A_453] : memref<8x50x64xf32, #tpu.memory_space<vmem>> -> memref<1x50x64xf32, #tpu.memory_space<vmem>>
      %dma_start3A_455 = tpu.memref_squeeze %dma_start3A_454 : memref<1x50x64xf32, #tpu.memory_space<vmem>> -> memref<50x64xf32, #tpu.memory_space<vmem>>
      %dma_start3A_456 = arith.constant 0 : i32
      %dma_start3A_457 = tpu.memref_slice %arg7[%dma_start3A_450, %dma_start3A_456] : memref<8x50xi32, #tpu.memory_space<vmem>> -> memref<1x50xi32, #tpu.memory_space<vmem>>
      %dma_start3A_458 = tpu.memref_squeeze %dma_start3A_457 : memref<1x50xi32, #tpu.memory_space<vmem>> -> memref<50xi32, #tpu.memory_space<vmem>>
      %dma_start3A_459 = arith.constant 0 : i32
      %dma_start3A_460 = arith.constant 0 : i32
      %dma_start3A_461 = tpu.memref_slice %arg3[%dma_start3A_459, %dma_start3A_460] : memref<1000000x64xf32, #tpu.memory_space<hbm>> -> memref<1000000x64xf32, #tpu.memory_space<hbm>>
      tpu.enqueue_indirect_dma source(%dma_start3A_461 : memref<1000000x64xf32, #tpu.memory_space<hbm>>) target(%dma_start3A_455 : memref<50x64xf32, #tpu.memory_space<vmem>>) offsets(%dma_start3A_458 : memref<50xi32, #tpu.memory_space<vmem>>) semaphore(%arg15 : memref<!tpu.dma_semaphore, #tpu.memory_space<semaphore_mem>>)
      %dma_start3A_462 = arith.constant 4 : i32
      %dma_start3A_463 = arith.constant 4 : i32
      %dma_start3A_464 = arith.constant 0 : i32
      %dma_start3A_465 = arith.constant 0 : i32
      %dma_start3A_466 = tpu.memref_slice %arg11[%dma_start3A_463, %dma_start3A_464, %dma_start3A_465] : memref<8x50x64xf32, #tpu.memory_space<vmem>> -> memref<1x50x64xf32, #tpu.memory_space<vmem>>
      %dma_start3A_467 = tpu.memref_squeeze %dma_start3A_466 : memref<1x50x64xf32, #tpu.memory_space<vmem>> -> memref<50x64xf32, #tpu.memory_space<vmem>>
      %dma_start3A_468 = arith.constant 0 : i32
      %dma_start3A_469 = tpu.memref_slice %arg7[%dma_start3A_462, %dma_start3A_468] : memref<8x50xi32, #tpu.memory_space<vmem>> -> memref<1x50xi32, #tpu.memory_space<vmem>>
      %dma_start3A_470 = tpu.memref_squeeze %dma_start3A_469 : memref<1x50xi32, #tpu.memory_space<vmem>> -> memref<50xi32, #tpu.memory_space<vmem>>
      %dma_start3A_471 = arith.constant 0 : i32
      %dma_start3A_472 = arith.constant 0 : i32
      %dma_start3A_473 = tpu.memref_slice %arg3[%dma_start3A_471, %dma_start3A_472] : memref<1000000x64xf32, #tpu.memory_space<hbm>> -> memref<1000000x64xf32, #tpu.memory_space<hbm>>
      tpu.enqueue_indirect_dma source(%dma_start3A_473 : memref<1000000x64xf32, #tpu.memory_space<hbm>>) target(%dma_start3A_467 : memref<50x64xf32, #tpu.memory_space<vmem>>) offsets(%dma_start3A_470 : memref<50xi32, #tpu.memory_space<vmem>>) semaphore(%arg15 : memref<!tpu.dma_semaphore, #tpu.memory_space<semaphore_mem>>)
      %dma_start3A_474 = arith.constant 5 : i32
      %dma_start3A_475 = arith.constant 5 : i32
      %dma_start3A_476 = arith.constant 0 : i32
      %dma_start3A_477 = arith.constant 0 : i32
      %dma_start3A_478 = tpu.memref_slice %arg11[%dma_start3A_475, %dma_start3A_476, %dma_start3A_477] : memref<8x50x64xf32, #tpu.memory_space<vmem>> -> memref<1x50x64xf32, #tpu.memory_space<vmem>>
      %dma_start3A_479 = tpu.memref_squeeze %dma_start3A_478 : memref<1x50x64xf32, #tpu.memory_space<vmem>> -> memref<50x64xf32, #tpu.memory_space<vmem>>
      %dma_start3A_480 = arith.constant 0 : i32
      %dma_start3A_481 = tpu.memref_slice %arg7[%dma_start3A_474, %dma_start3A_480] : memref<8x50xi32, #tpu.memory_space<vmem>> -> memref<1x50xi32, #tpu.memory_space<vmem>>
      %dma_start3A_482 = tpu.memref_squeeze %dma_start3A_481 : memref<1x50xi32, #tpu.memory_space<vmem>> -> memref<50xi32, #tpu.memory_space<vmem>>
      %dma_start3A_483 = arith.constant 0 : i32
      %dma_start3A_484 = arith.constant 0 : i32
      %dma_start3A_485 = tpu.memref_slice %arg3[%dma_start3A_483, %dma_start3A_484] : memref<1000000x64xf32, #tpu.memory_space<hbm>> -> memref<1000000x64xf32, #tpu.memory_space<hbm>>
      tpu.enqueue_indirect_dma source(%dma_start3A_485 : memref<1000000x64xf32, #tpu.memory_space<hbm>>) target(%dma_start3A_479 : memref<50x64xf32, #tpu.memory_space<vmem>>) offsets(%dma_start3A_482 : memref<50xi32, #tpu.memory_space<vmem>>) semaphore(%arg15 : memref<!tpu.dma_semaphore, #tpu.memory_space<semaphore_mem>>)
      %dma_start3A_486 = arith.constant 6 : i32
      %dma_start3A_487 = arith.constant 6 : i32
      %dma_start3A_488 = arith.constant 0 : i32
      %dma_start3A_489 = arith.constant 0 : i32
      %dma_start3A_490 = tpu.memref_slice %arg11[%dma_start3A_487, %dma_start3A_488, %dma_start3A_489] : memref<8x50x64xf32, #tpu.memory_space<vmem>> -> memref<1x50x64xf32, #tpu.memory_space<vmem>>
      %dma_start3A_491 = tpu.memref_squeeze %dma_start3A_490 : memref<1x50x64xf32, #tpu.memory_space<vmem>> -> memref<50x64xf32, #tpu.memory_space<vmem>>
      %dma_start3A_492 = arith.constant 0 : i32
      %dma_start3A_493 = tpu.memref_slice %arg7[%dma_start3A_486, %dma_start3A_492] : memref<8x50xi32, #tpu.memory_space<vmem>> -> memref<1x50xi32, #tpu.memory_space<vmem>>
      %dma_start3A_494 = tpu.memref_squeeze %dma_start3A_493 : memref<1x50xi32, #tpu.memory_space<vmem>> -> memref<50xi32, #tpu.memory_space<vmem>>
      %dma_start3A_495 = arith.constant 0 : i32
      %dma_start3A_496 = arith.constant 0 : i32
      %dma_start3A_497 = tpu.memref_slice %arg3[%dma_start3A_495, %dma_start3A_496] : memref<1000000x64xf32, #tpu.memory_space<hbm>> -> memref<1000000x64xf32, #tpu.memory_space<hbm>>
      tpu.enqueue_indirect_dma source(%dma_start3A_497 : memref<1000000x64xf32, #tpu.memory_space<hbm>>) target(%dma_start3A_491 : memref<50x64xf32, #tpu.memory_space<vmem>>) offsets(%dma_start3A_494 : memref<50xi32, #tpu.memory_space<vmem>>) semaphore(%arg15 : memref<!tpu.dma_semaphore, #tpu.memory_space<semaphore_mem>>)
      %dma_start3A_498 = arith.constant 7 : i32
      %dma_start3A_499 = arith.constant 7 : i32
      %dma_start3A_500 = arith.constant 0 : i32
      %dma_start3A_501 = arith.constant 0 : i32
      %dma_start3A_502 = tpu.memref_slice %arg11[%dma_start3A_499, %dma_start3A_500, %dma_start3A_501] : memref<8x50x64xf32, #tpu.memory_space<vmem>> -> memref<1x50x64xf32, #tpu.memory_space<vmem>>
      %dma_start3A_503 = tpu.memref_squeeze %dma_start3A_502 : memref<1x50x64xf32, #tpu.memory_space<vmem>> -> memref<50x64xf32, #tpu.memory_space<vmem>>
      %dma_start3A_504 = arith.constant 0 : i32
      %dma_start3A_505 = tpu.memref_slice %arg7[%dma_start3A_498, %dma_start3A_504] : memref<8x50xi32, #tpu.memory_space<vmem>> -> memref<1x50xi32, #tpu.memory_space<vmem>>
      %dma_start3A_506 = tpu.memref_squeeze %dma_start3A_505 : memref<1x50xi32, #tpu.memory_space<vmem>> -> memref<50xi32, #tpu.memory_space<vmem>>
      %dma_start3A_507 = arith.constant 0 : i32
      %dma_start3A_508 = arith.constant 0 : i32
      %dma_start3A_509 = tpu.memref_slice %arg3[%dma_start3A_507, %dma_start3A_508] : memref<1000000x64xf32, #tpu.memory_space<hbm>> -> memref<1000000x64xf32, #tpu.memory_space<hbm>>
      tpu.enqueue_indirect_dma source(%dma_start3A_509 : memref<1000000x64xf32, #tpu.memory_space<hbm>>) target(%dma_start3A_503 : memref<50x64xf32, #tpu.memory_space<vmem>>) offsets(%dma_start3A_506 : memref<50xi32, #tpu.memory_space<vmem>>) semaphore(%arg15 : memref<!tpu.dma_semaphore, #tpu.memory_space<semaphore_mem>>)
      %gt3A_510 = arith.constant 0 : i32
      %gt3A_511 = arith.cmpi sgt, %add3A_401, %gt3A_510 : i32
      %convert_element_type3A_512 = arith.extui %gt3A_511 : i1 to i32
      %cond3A_513 = arith.constant 0 : i32
      %cond3A_514 = arith.cmpi ne, %convert_element_type3A_512, %cond3A_513 : i32
      scf.if %cond3A_514 {
        %dma_wait3A_632 = arith.constant 0 : i32
        %dma_wait3A_633 = arith.constant 0 : i32
        %dma_wait3A_634 = arith.constant 0 : i32
        %dma_wait3A_635 = arith.constant 0 : i32
        %dma_wait3A_636 = tpu.memref_slice %arg10[%dma_wait3A_633, %dma_wait3A_634, %dma_wait3A_635] : memref<8x50x64xf32, #tpu.memory_space<vmem>> -> memref<1x50x64xf32, #tpu.memory_space<vmem>>
        %dma_wait3A_637 = tpu.memref_squeeze %dma_wait3A_636 : memref<1x50x64xf32, #tpu.memory_space<vmem>> -> memref<50x64xf32, #tpu.memory_space<vmem>>
        %dma_wait3A_638 = arith.constant 0 : i32
        %dma_wait3A_639 = tpu.memref_slice %arg6[%dma_wait3A_632, %dma_wait3A_638] : memref<8x50xi32, #tpu.memory_space<vmem>> -> memref<1x50xi32, #tpu.memory_space<vmem>>
        %dma_wait3A_640 = tpu.memref_squeeze %dma_wait3A_639 : memref<1x50xi32, #tpu.memory_space<vmem>> -> memref<50xi32, #tpu.memory_space<vmem>>
        %dma_wait3A_641 = arith.constant 0 : i32
        %dma_wait3A_642 = arith.constant 0 : i32
        %dma_wait3A_643 = tpu.memref_slice %arg3[%dma_wait3A_641, %dma_wait3A_642] : memref<1000000x64xf32, #tpu.memory_space<hbm>> -> memref<1000000x64xf32, #tpu.memory_space<hbm>>
        tpu.wait_indirect_dma semaphore(%arg14 : memref<!tpu.dma_semaphore, #tpu.memory_space<semaphore_mem>>) src(%dma_wait3A_643 : memref<1000000x64xf32, #tpu.memory_space<hbm>>) dst(%dma_wait3A_637 : memref<50x64xf32, #tpu.memory_space<vmem>>)
        %dma_wait3A_644 = arith.constant 1 : i32
        %dma_wait3A_645 = arith.constant 1 : i32
        %dma_wait3A_646 = arith.constant 0 : i32
        %dma_wait3A_647 = arith.constant 0 : i32
        %dma_wait3A_648 = tpu.memref_slice %arg10[%dma_wait3A_645, %dma_wait3A_646, %dma_wait3A_647] : memref<8x50x64xf32, #tpu.memory_space<vmem>> -> memref<1x50x64xf32, #tpu.memory_space<vmem>>
        %dma_wait3A_649 = tpu.memref_squeeze %dma_wait3A_648 : memref<1x50x64xf32, #tpu.memory_space<vmem>> -> memref<50x64xf32, #tpu.memory_space<vmem>>
        %dma_wait3A_650 = arith.constant 0 : i32
        %dma_wait3A_651 = tpu.memref_slice %arg6[%dma_wait3A_644, %dma_wait3A_650] : memref<8x50xi32, #tpu.memory_space<vmem>> -> memref<1x50xi32, #tpu.memory_space<vmem>>
        %dma_wait3A_652 = tpu.memref_squeeze %dma_wait3A_651 : memref<1x50xi32, #tpu.memory_space<vmem>> -> memref<50xi32, #tpu.memory_space<vmem>>
        %dma_wait3A_653 = arith.constant 0 : i32
        %dma_wait3A_654 = arith.constant 0 : i32
        %dma_wait3A_655 = tpu.memref_slice %arg3[%dma_wait3A_653, %dma_wait3A_654] : memref<1000000x64xf32, #tpu.memory_space<hbm>> -> memref<1000000x64xf32, #tpu.memory_space<hbm>>
        tpu.wait_indirect_dma semaphore(%arg14 : memref<!tpu.dma_semaphore, #tpu.memory_space<semaphore_mem>>) src(%dma_wait3A_655 : memref<1000000x64xf32, #tpu.memory_space<hbm>>) dst(%dma_wait3A_649 : memref<50x64xf32, #tpu.memory_space<vmem>>)
        %dma_wait3A_656 = arith.constant 2 : i32
        %dma_wait3A_657 = arith.constant 2 : i32
        %dma_wait3A_658 = arith.constant 0 : i32
        %dma_wait3A_659 = arith.constant 0 : i32
        %dma_wait3A_660 = tpu.memref_slice %arg10[%dma_wait3A_657, %dma_wait3A_658, %dma_wait3A_659] : memref<8x50x64xf32, #tpu.memory_space<vmem>> -> memref<1x50x64xf32, #tpu.memory_space<vmem>>
        %dma_wait3A_661 = tpu.memref_squeeze %dma_wait3A_660 : memref<1x50x64xf32, #tpu.memory_space<vmem>> -> memref<50x64xf32, #tpu.memory_space<vmem>>
        %dma_wait3A_662 = arith.constant 0 : i32
        %dma_wait3A_663 = tpu.memref_slice %arg6[%dma_wait3A_656, %dma_wait3A_662] : memref<8x50xi32, #tpu.memory_space<vmem>> -> memref<1x50xi32, #tpu.memory_space<vmem>>
        %dma_wait3A_664 = tpu.memref_squeeze %dma_wait3A_663 : memref<1x50xi32, #tpu.memory_space<vmem>> -> memref<50xi32, #tpu.memory_space<vmem>>
        %dma_wait3A_665 = arith.constant 0 : i32
        %dma_wait3A_666 = arith.constant 0 : i32
        %dma_wait3A_667 = tpu.memref_slice %arg3[%dma_wait3A_665, %dma_wait3A_666] : memref<1000000x64xf32, #tpu.memory_space<hbm>> -> memref<1000000x64xf32, #tpu.memory_space<hbm>>
        tpu.wait_indirect_dma semaphore(%arg14 : memref<!tpu.dma_semaphore, #tpu.memory_space<semaphore_mem>>) src(%dma_wait3A_667 : memref<1000000x64xf32, #tpu.memory_space<hbm>>) dst(%dma_wait3A_661 : memref<50x64xf32, #tpu.memory_space<vmem>>)
        %dma_wait3A_668 = arith.constant 3 : i32
        %dma_wait3A_669 = arith.constant 3 : i32
        %dma_wait3A_670 = arith.constant 0 : i32
        %dma_wait3A_671 = arith.constant 0 : i32
        %dma_wait3A_672 = tpu.memref_slice %arg10[%dma_wait3A_669, %dma_wait3A_670, %dma_wait3A_671] : memref<8x50x64xf32, #tpu.memory_space<vmem>> -> memref<1x50x64xf32, #tpu.memory_space<vmem>>
        %dma_wait3A_673 = tpu.memref_squeeze %dma_wait3A_672 : memref<1x50x64xf32, #tpu.memory_space<vmem>> -> memref<50x64xf32, #tpu.memory_space<vmem>>
        %dma_wait3A_674 = arith.constant 0 : i32
        %dma_wait3A_675 = tpu.memref_slice %arg6[%dma_wait3A_668, %dma_wait3A_674] : memref<8x50xi32, #tpu.memory_space<vmem>> -> memref<1x50xi32, #tpu.memory_space<vmem>>
        %dma_wait3A_676 = tpu.memref_squeeze %dma_wait3A_675 : memref<1x50xi32, #tpu.memory_space<vmem>> -> memref<50xi32, #tpu.memory_space<vmem>>
        %dma_wait3A_677 = arith.constant 0 : i32
        %dma_wait3A_678 = arith.constant 0 : i32
        %dma_wait3A_679 = tpu.memref_slice %arg3[%dma_wait3A_677, %dma_wait3A_678] : memref<1000000x64xf32, #tpu.memory_space<hbm>> -> memref<1000000x64xf32, #tpu.memory_space<hbm>>
        tpu.wait_indirect_dma semaphore(%arg14 : memref<!tpu.dma_semaphore, #tpu.memory_space<semaphore_mem>>) src(%dma_wait3A_679 : memref<1000000x64xf32, #tpu.memory_space<hbm>>) dst(%dma_wait3A_673 : memref<50x64xf32, #tpu.memory_space<vmem>>)
        %dma_wait3A_680 = arith.constant 4 : i32
        %dma_wait3A_681 = arith.constant 4 : i32
        %dma_wait3A_682 = arith.constant 0 : i32
        %dma_wait3A_683 = arith.constant 0 : i32
        %dma_wait3A_684 = tpu.memref_slice %arg10[%dma_wait3A_681, %dma_wait3A_682, %dma_wait3A_683] : memref<8x50x64xf32, #tpu.memory_space<vmem>> -> memref<1x50x64xf32, #tpu.memory_space<vmem>>
        %dma_wait3A_685 = tpu.memref_squeeze %dma_wait3A_684 : memref<1x50x64xf32, #tpu.memory_space<vmem>> -> memref<50x64xf32, #tpu.memory_space<vmem>>
        %dma_wait3A_686 = arith.constant 0 : i32
        %dma_wait3A_687 = tpu.memref_slice %arg6[%dma_wait3A_680, %dma_wait3A_686] : memref<8x50xi32, #tpu.memory_space<vmem>> -> memref<1x50xi32, #tpu.memory_space<vmem>>
        %dma_wait3A_688 = tpu.memref_squeeze %dma_wait3A_687 : memref<1x50xi32, #tpu.memory_space<vmem>> -> memref<50xi32, #tpu.memory_space<vmem>>
        %dma_wait3A_689 = arith.constant 0 : i32
        %dma_wait3A_690 = arith.constant 0 : i32
        %dma_wait3A_691 = tpu.memref_slice %arg3[%dma_wait3A_689, %dma_wait3A_690] : memref<1000000x64xf32, #tpu.memory_space<hbm>> -> memref<1000000x64xf32, #tpu.memory_space<hbm>>
        tpu.wait_indirect_dma semaphore(%arg14 : memref<!tpu.dma_semaphore, #tpu.memory_space<semaphore_mem>>) src(%dma_wait3A_691 : memref<1000000x64xf32, #tpu.memory_space<hbm>>) dst(%dma_wait3A_685 : memref<50x64xf32, #tpu.memory_space<vmem>>)
        %dma_wait3A_692 = arith.constant 5 : i32
        %dma_wait3A_693 = arith.constant 5 : i32
        %dma_wait3A_694 = arith.constant 0 : i32
        %dma_wait3A_695 = arith.constant 0 : i32
        %dma_wait3A_696 = tpu.memref_slice %arg10[%dma_wait3A_693, %dma_wait3A_694, %dma_wait3A_695] : memref<8x50x64xf32, #tpu.memory_space<vmem>> -> memref<1x50x64xf32, #tpu.memory_space<vmem>>
        %dma_wait3A_697 = tpu.memref_squeeze %dma_wait3A_696 : memref<1x50x64xf32, #tpu.memory_space<vmem>> -> memref<50x64xf32, #tpu.memory_space<vmem>>
        %dma_wait3A_698 = arith.constant 0 : i32
        %dma_wait3A_699 = tpu.memref_slice %arg6[%dma_wait3A_692, %dma_wait3A_698] : memref<8x50xi32, #tpu.memory_space<vmem>> -> memref<1x50xi32, #tpu.memory_space<vmem>>
        %dma_wait3A_700 = tpu.memref_squeeze %dma_wait3A_699 : memref<1x50xi32, #tpu.memory_space<vmem>> -> memref<50xi32, #tpu.memory_space<vmem>>
        %dma_wait3A_701 = arith.constant 0 : i32
        %dma_wait3A_702 = arith.constant 0 : i32
        %dma_wait3A_703 = tpu.memref_slice %arg3[%dma_wait3A_701, %dma_wait3A_702] : memref<1000000x64xf32, #tpu.memory_space<hbm>> -> memref<1000000x64xf32, #tpu.memory_space<hbm>>
        tpu.wait_indirect_dma semaphore(%arg14 : memref<!tpu.dma_semaphore, #tpu.memory_space<semaphore_mem>>) src(%dma_wait3A_703 : memref<1000000x64xf32, #tpu.memory_space<hbm>>) dst(%dma_wait3A_697 : memref<50x64xf32, #tpu.memory_space<vmem>>)
        %dma_wait3A_704 = arith.constant 6 : i32
        %dma_wait3A_705 = arith.constant 6 : i32
        %dma_wait3A_706 = arith.constant 0 : i32
        %dma_wait3A_707 = arith.constant 0 : i32
        %dma_wait3A_708 = tpu.memref_slice %arg10[%dma_wait3A_705, %dma_wait3A_706, %dma_wait3A_707] : memref<8x50x64xf32, #tpu.memory_space<vmem>> -> memref<1x50x64xf32, #tpu.memory_space<vmem>>
        %dma_wait3A_709 = tpu.memref_squeeze %dma_wait3A_708 : memref<1x50x64xf32, #tpu.memory_space<vmem>> -> memref<50x64xf32, #tpu.memory_space<vmem>>
        %dma_wait3A_710 = arith.constant 0 : i32
        %dma_wait3A_711 = tpu.memref_slice %arg6[%dma_wait3A_704, %dma_wait3A_710] : memref<8x50xi32, #tpu.memory_space<vmem>> -> memref<1x50xi32, #tpu.memory_space<vmem>>
        %dma_wait3A_712 = tpu.memref_squeeze %dma_wait3A_711 : memref<1x50xi32, #tpu.memory_space<vmem>> -> memref<50xi32, #tpu.memory_space<vmem>>
        %dma_wait3A_713 = arith.constant 0 : i32
        %dma_wait3A_714 = arith.constant 0 : i32
        %dma_wait3A_715 = tpu.memref_slice %arg3[%dma_wait3A_713, %dma_wait3A_714] : memref<1000000x64xf32, #tpu.memory_space<hbm>> -> memref<1000000x64xf32, #tpu.memory_space<hbm>>
        tpu.wait_indirect_dma semaphore(%arg14 : memref<!tpu.dma_semaphore, #tpu.memory_space<semaphore_mem>>) src(%dma_wait3A_715 : memref<1000000x64xf32, #tpu.memory_space<hbm>>) dst(%dma_wait3A_709 : memref<50x64xf32, #tpu.memory_space<vmem>>)
        %dma_wait3A_716 = arith.constant 7 : i32
        %dma_wait3A_717 = arith.constant 7 : i32
        %dma_wait3A_718 = arith.constant 0 : i32
        %dma_wait3A_719 = arith.constant 0 : i32
        %dma_wait3A_720 = tpu.memref_slice %arg10[%dma_wait3A_717, %dma_wait3A_718, %dma_wait3A_719] : memref<8x50x64xf32, #tpu.memory_space<vmem>> -> memref<1x50x64xf32, #tpu.memory_space<vmem>>
        %dma_wait3A_721 = tpu.memref_squeeze %dma_wait3A_720 : memref<1x50x64xf32, #tpu.memory_space<vmem>> -> memref<50x64xf32, #tpu.memory_space<vmem>>
        %dma_wait3A_722 = arith.constant 0 : i32
        %dma_wait3A_723 = tpu.memref_slice %arg6[%dma_wait3A_716, %dma_wait3A_722] : memref<8x50xi32, #tpu.memory_space<vmem>> -> memref<1x50xi32, #tpu.memory_space<vmem>>
        %dma_wait3A_724 = tpu.memref_squeeze %dma_wait3A_723 : memref<1x50xi32, #tpu.memory_space<vmem>> -> memref<50xi32, #tpu.memory_space<vmem>>
        %dma_wait3A_725 = arith.constant 0 : i32
        %dma_wait3A_726 = arith.constant 0 : i32
        %dma_wait3A_727 = tpu.memref_slice %arg3[%dma_wait3A_725, %dma_wait3A_726] : memref<1000000x64xf32, #tpu.memory_space<hbm>> -> memref<1000000x64xf32, #tpu.memory_space<hbm>>
        tpu.wait_indirect_dma semaphore(%arg14 : memref<!tpu.dma_semaphore, #tpu.memory_space<semaphore_mem>>) src(%dma_wait3A_727 : memref<1000000x64xf32, #tpu.memory_space<hbm>>) dst(%dma_wait3A_721 : memref<50x64xf32, #tpu.memory_space<vmem>>)
        %sub3A = arith.constant 1 : i32
        %sub3A_728 = arith.subi %add3A_401, %sub3A : i32
        %mul3A_729 = arith.constant 8 : i32
        %mul3A_730 = arith.muli %sub3A_728, %mul3A_729 : i32
        %add3A_731 = arith.addi %mul3A_2, %mul3A_730 : i32
        %dma_start3A_732 = arith.constant 0 : i32
        %dma_start3A_733 = arith.constant 0 : i32
        %dma_start3A_734 = tpu.memref_slice %arg4[%add3A_731, %dma_start3A_732, %dma_start3A_733] : memref<16384x56x128xf32, #tpu.memory_space<hbm>> -> memref<8x50x64xf32, #tpu.memory_space<hbm>>
        %dma_start3A_735 = arith.constant 0 : i32
        %dma_start3A_736 = arith.constant 0 : i32
        %dma_start3A_737 = tpu.memref_slice %arg4[%add3A_731, %dma_start3A_735, %dma_start3A_736] : memref<16384x56x128xf32, #tpu.memory_space<hbm>> -> memref<8x50x64xf32, #tpu.memory_space<hbm>>
        tpu.enqueue_dma source(%arg10 : memref<8x50x64xf32, #tpu.memory_space<vmem>>) target(%dma_start3A_737 : memref<8x50x64xf32, #tpu.memory_space<hbm>>) target_semaphore(%arg22 : memref<!tpu.dma_semaphore, #tpu.memory_space<semaphore_mem>>)
        %add3A_738 = arith.constant 4 : i32
        %add3A_739 = arith.addi %add3A_401, %add3A_738 : i32
        %sub3A_740 = arith.constant 1 : i32
        %sub3A_741 = arith.subi %add3A_739, %sub3A_740 : i32
        %lt3A = arith.constant 64 : i32
        %lt3A_742 = arith.cmpi slt, %sub3A_741, %lt3A : i32
        %convert_element_type3A_743 = arith.extui %lt3A_742 : i1 to i32
        %cond3A_744 = arith.constant 0 : i32
        %cond3A_745 = arith.cmpi ne, %convert_element_type3A_743, %cond3A_744 : i32
        scf.if %cond3A_745 {
          %add3A_746 = arith.constant 4 : i32
          %add3A_747 = arith.addi %add3A_401, %add3A_746 : i32
          %sub3A_748 = arith.constant 1 : i32
          %sub3A_749 = arith.subi %add3A_747, %sub3A_748 : i32
          %mul3A_750 = arith.constant 8 : i32
          %mul3A_751 = arith.muli %sub3A_749, %mul3A_750 : i32
          %add3A_752 = arith.addi %mul3A_2, %mul3A_751 : i32
          %dma_start3A_753 = arith.constant 0 : i32
          %dma_start3A_754 = tpu.memref_slice %arg2[%add3A_752, %dma_start3A_753] : memref<16384x50xi32, #tpu.memory_space<hbm>> -> memref<8x50xi32, #tpu.memory_space<hbm>>
          %dma_start3A_755 = arith.constant 0 : i32
          %dma_start3A_756 = tpu.memref_slice %arg2[%add3A_752, %dma_start3A_755] : memref<16384x50xi32, #tpu.memory_space<hbm>> -> memref<8x50xi32, #tpu.memory_space<hbm>>
          tpu.enqueue_dma source(%dma_start3A_756 : memref<8x50xi32, #tpu.memory_space<hbm>>) target(%arg6 : memref<8x50xi32, #tpu.memory_space<vmem>>) target_semaphore(%arg18 : memref<!tpu.dma_semaphore, #tpu.memory_space<semaphore_mem>>)
        } else {
        }
      } else {
      }
      %mul3A_515 = arith.constant 4 : i32
      %mul3A_516 = arith.muli %scan3A_166, %mul3A_515 : i32
      %add3A_517 = arith.constant 3 : i32
      %add3A_518 = arith.addi %mul3A_516, %add3A_517 : i32
      %gt3A_519 = arith.constant 0 : i32
      %gt3A_520 = arith.cmpi sgt, %scan3A_166, %gt3A_519 : i32
      %convert_element_type3A_521 = arith.extui %gt3A_520 : i1 to i32
      %cond3A_522 = arith.constant 0 : i32
      %cond3A_523 = arith.cmpi ne, %convert_element_type3A_521, %cond3A_522 : i32
      scf.if %cond3A_523 {
        %sub3A = arith.constant 4 : i32
        %sub3A_632 = arith.subi %add3A_518, %sub3A : i32
        %mul3A_633 = arith.constant 8 : i32
        %mul3A_634 = arith.muli %sub3A_632, %mul3A_633 : i32
        %add3A_635 = arith.addi %mul3A_2, %mul3A_634 : i32
        %dma_wait3A_636 = arith.constant 0 : i32
        %dma_wait3A_637 = arith.constant 0 : i32
        %dma_wait3A_638 = tpu.memref_slice %arg4[%add3A_635, %dma_wait3A_636, %dma_wait3A_637] : memref<16384x56x128xf32, #tpu.memory_space<hbm>> -> memref<8x50x64xf32, #tpu.memory_space<hbm>>
        %dma_wait3A_639 = arith.constant 0 : i32
        %dma_wait3A_640 = arith.constant 0 : i32
        %dma_wait3A_641 = tpu.memref_slice %arg4[%add3A_635, %dma_wait3A_639, %dma_wait3A_640] : memref<16384x56x128xf32, #tpu.memory_space<hbm>> -> memref<8x50x64xf32, #tpu.memory_space<hbm>>
        tpu.wait_dma2 semaphore(%arg24 : memref<!tpu.dma_semaphore, #tpu.memory_space<semaphore_mem>>) src(%arg12 : memref<8x50x64xf32, #tpu.memory_space<vmem>>) dst(%dma_wait3A_641 : memref<8x50x64xf32, #tpu.memory_space<hbm>>)
      } else {
      }
      %mul3A_524 = arith.constant 8 : i32
      %mul3A_525 = arith.muli %add3A_518, %mul3A_524 : i32
      %add3A_526 = arith.addi %mul3A_2, %mul3A_525 : i32
      %dma_wait3A_527 = arith.constant 0 : i32
      %dma_wait3A_528 = tpu.memref_slice %arg2[%add3A_526, %dma_wait3A_527] : memref<16384x50xi32, #tpu.memory_space<hbm>> -> memref<8x50xi32, #tpu.memory_space<hbm>>
      %dma_wait3A_529 = arith.constant 0 : i32
      %dma_wait3A_530 = tpu.memref_slice %arg2[%add3A_526, %dma_wait3A_529] : memref<16384x50xi32, #tpu.memory_space<hbm>> -> memref<8x50xi32, #tpu.memory_space<hbm>>
      tpu.wait_dma2 semaphore(%arg20 : memref<!tpu.dma_semaphore, #tpu.memory_space<semaphore_mem>>) src(%dma_wait3A_530 : memref<8x50xi32, #tpu.memory_space<hbm>>) dst(%arg8 : memref<8x50xi32, #tpu.memory_space<vmem>>)
      %dma_start3A_531 = arith.constant 0 : i32
      %dma_start3A_532 = arith.constant 0 : i32
      %dma_start3A_533 = arith.constant 0 : i32
      %dma_start3A_534 = arith.constant 0 : i32
      %dma_start3A_535 = tpu.memref_slice %arg12[%dma_start3A_532, %dma_start3A_533, %dma_start3A_534] : memref<8x50x64xf32, #tpu.memory_space<vmem>> -> memref<1x50x64xf32, #tpu.memory_space<vmem>>
      %dma_start3A_536 = tpu.memref_squeeze %dma_start3A_535 : memref<1x50x64xf32, #tpu.memory_space<vmem>> -> memref<50x64xf32, #tpu.memory_space<vmem>>
      %dma_start3A_537 = arith.constant 0 : i32
      %dma_start3A_538 = tpu.memref_slice %arg8[%dma_start3A_531, %dma_start3A_537] : memref<8x50xi32, #tpu.memory_space<vmem>> -> memref<1x50xi32, #tpu.memory_space<vmem>>
      %dma_start3A_539 = tpu.memref_squeeze %dma_start3A_538 : memref<1x50xi32, #tpu.memory_space<vmem>> -> memref<50xi32, #tpu.memory_space<vmem>>
      %dma_start3A_540 = arith.constant 0 : i32
      %dma_start3A_541 = arith.constant 0 : i32
      %dma_start3A_542 = tpu.memref_slice %arg3[%dma_start3A_540, %dma_start3A_541] : memref<1000000x64xf32, #tpu.memory_space<hbm>> -> memref<1000000x64xf32, #tpu.memory_space<hbm>>
      tpu.enqueue_indirect_dma source(%dma_start3A_542 : memref<1000000x64xf32, #tpu.memory_space<hbm>>) target(%dma_start3A_536 : memref<50x64xf32, #tpu.memory_space<vmem>>) offsets(%dma_start3A_539 : memref<50xi32, #tpu.memory_space<vmem>>) semaphore(%arg16 : memref<!tpu.dma_semaphore, #tpu.memory_space<semaphore_mem>>)
      %dma_start3A_543 = arith.constant 1 : i32
      %dma_start3A_544 = arith.constant 1 : i32
      %dma_start3A_545 = arith.constant 0 : i32
      %dma_start3A_546 = arith.constant 0 : i32
      %dma_start3A_547 = tpu.memref_slice %arg12[%dma_start3A_544, %dma_start3A_545, %dma_start3A_546] : memref<8x50x64xf32, #tpu.memory_space<vmem>> -> memref<1x50x64xf32, #tpu.memory_space<vmem>>
      %dma_start3A_548 = tpu.memref_squeeze %dma_start3A_547 : memref<1x50x64xf32, #tpu.memory_space<vmem>> -> memref<50x64xf32, #tpu.memory_space<vmem>>
      %dma_start3A_549 = arith.constant 0 : i32
      %dma_start3A_550 = tpu.memref_slice %arg8[%dma_start3A_543, %dma_start3A_549] : memref<8x50xi32, #tpu.memory_space<vmem>> -> memref<1x50xi32, #tpu.memory_space<vmem>>
      %dma_start3A_551 = tpu.memref_squeeze %dma_start3A_550 : memref<1x50xi32, #tpu.memory_space<vmem>> -> memref<50xi32, #tpu.memory_space<vmem>>
      %dma_start3A_552 = arith.constant 0 : i32
      %dma_start3A_553 = arith.constant 0 : i32
      %dma_start3A_554 = tpu.memref_slice %arg3[%dma_start3A_552, %dma_start3A_553] : memref<1000000x64xf32, #tpu.memory_space<hbm>> -> memref<1000000x64xf32, #tpu.memory_space<hbm>>
      tpu.enqueue_indirect_dma source(%dma_start3A_554 : memref<1000000x64xf32, #tpu.memory_space<hbm>>) target(%dma_start3A_548 : memref<50x64xf32, #tpu.memory_space<vmem>>) offsets(%dma_start3A_551 : memref<50xi32, #tpu.memory_space<vmem>>) semaphore(%arg16 : memref<!tpu.dma_semaphore, #tpu.memory_space<semaphore_mem>>)
      %dma_start3A_555 = arith.constant 2 : i32
      %dma_start3A_556 = arith.constant 2 : i32
      %dma_start3A_557 = arith.constant 0 : i32
      %dma_start3A_558 = arith.constant 0 : i32
      %dma_start3A_559 = tpu.memref_slice %arg12[%dma_start3A_556, %dma_start3A_557, %dma_start3A_558] : memref<8x50x64xf32, #tpu.memory_space<vmem>> -> memref<1x50x64xf32, #tpu.memory_space<vmem>>
      %dma_start3A_560 = tpu.memref_squeeze %dma_start3A_559 : memref<1x50x64xf32, #tpu.memory_space<vmem>> -> memref<50x64xf32, #tpu.memory_space<vmem>>
      %dma_start3A_561 = arith.constant 0 : i32
      %dma_start3A_562 = tpu.memref_slice %arg8[%dma_start3A_555, %dma_start3A_561] : memref<8x50xi32, #tpu.memory_space<vmem>> -> memref<1x50xi32, #tpu.memory_space<vmem>>
      %dma_start3A_563 = tpu.memref_squeeze %dma_start3A_562 : memref<1x50xi32, #tpu.memory_space<vmem>> -> memref<50xi32, #tpu.memory_space<vmem>>
      %dma_start3A_564 = arith.constant 0 : i32
      %dma_start3A_565 = arith.constant 0 : i32
      %dma_start3A_566 = tpu.memref_slice %arg3[%dma_start3A_564, %dma_start3A_565] : memref<1000000x64xf32, #tpu.memory_space<hbm>> -> memref<1000000x64xf32, #tpu.memory_space<hbm>>
      tpu.enqueue_indirect_dma source(%dma_start3A_566 : memref<1000000x64xf32, #tpu.memory_space<hbm>>) target(%dma_start3A_560 : memref<50x64xf32, #tpu.memory_space<vmem>>) offsets(%dma_start3A_563 : memref<50xi32, #tpu.memory_space<vmem>>) semaphore(%arg16 : memref<!tpu.dma_semaphore, #tpu.memory_space<semaphore_mem>>)
      %dma_start3A_567 = arith.constant 3 : i32
      %dma_start3A_568 = arith.constant 3 : i32
      %dma_start3A_569 = arith.constant 0 : i32
      %dma_start3A_570 = arith.constant 0 : i32
      %dma_start3A_571 = tpu.memref_slice %arg12[%dma_start3A_568, %dma_start3A_569, %dma_start3A_570] : memref<8x50x64xf32, #tpu.memory_space<vmem>> -> memref<1x50x64xf32, #tpu.memory_space<vmem>>
      %dma_start3A_572 = tpu.memref_squeeze %dma_start3A_571 : memref<1x50x64xf32, #tpu.memory_space<vmem>> -> memref<50x64xf32, #tpu.memory_space<vmem>>
      %dma_start3A_573 = arith.constant 0 : i32
      %dma_start3A_574 = tpu.memref_slice %arg8[%dma_start3A_567, %dma_start3A_573] : memref<8x50xi32, #tpu.memory_space<vmem>> -> memref<1x50xi32, #tpu.memory_space<vmem>>
      %dma_start3A_575 = tpu.memref_squeeze %dma_start3A_574 : memref<1x50xi32, #tpu.memory_space<vmem>> -> memref<50xi32, #tpu.memory_space<vmem>>
      %dma_start3A_576 = arith.constant 0 : i32
      %dma_start3A_577 = arith.constant 0 : i32
      %dma_start3A_578 = tpu.memref_slice %arg3[%dma_start3A_576, %dma_start3A_577] : memref<1000000x64xf32, #tpu.memory_space<hbm>> -> memref<1000000x64xf32, #tpu.memory_space<hbm>>
      tpu.enqueue_indirect_dma source(%dma_start3A_578 : memref<1000000x64xf32, #tpu.memory_space<hbm>>) target(%dma_start3A_572 : memref<50x64xf32, #tpu.memory_space<vmem>>) offsets(%dma_start3A_575 : memref<50xi32, #tpu.memory_space<vmem>>) semaphore(%arg16 : memref<!tpu.dma_semaphore, #tpu.memory_space<semaphore_mem>>)
      %dma_start3A_579 = arith.constant 4 : i32
      %dma_start3A_580 = arith.constant 4 : i32
      %dma_start3A_581 = arith.constant 0 : i32
      %dma_start3A_582 = arith.constant 0 : i32
      %dma_start3A_583 = tpu.memref_slice %arg12[%dma_start3A_580, %dma_start3A_581, %dma_start3A_582] : memref<8x50x64xf32, #tpu.memory_space<vmem>> -> memref<1x50x64xf32, #tpu.memory_space<vmem>>
      %dma_start3A_584 = tpu.memref_squeeze %dma_start3A_583 : memref<1x50x64xf32, #tpu.memory_space<vmem>> -> memref<50x64xf32, #tpu.memory_space<vmem>>
      %dma_start3A_585 = arith.constant 0 : i32
      %dma_start3A_586 = tpu.memref_slice %arg8[%dma_start3A_579, %dma_start3A_585] : memref<8x50xi32, #tpu.memory_space<vmem>> -> memref<1x50xi32, #tpu.memory_space<vmem>>
      %dma_start3A_587 = tpu.memref_squeeze %dma_start3A_586 : memref<1x50xi32, #tpu.memory_space<vmem>> -> memref<50xi32, #tpu.memory_space<vmem>>
      %dma_start3A_588 = arith.constant 0 : i32
      %dma_start3A_589 = arith.constant 0 : i32
      %dma_start3A_590 = tpu.memref_slice %arg3[%dma_start3A_588, %dma_start3A_589] : memref<1000000x64xf32, #tpu.memory_space<hbm>> -> memref<1000000x64xf32, #tpu.memory_space<hbm>>
      tpu.enqueue_indirect_dma source(%dma_start3A_590 : memref<1000000x64xf32, #tpu.memory_space<hbm>>) target(%dma_start3A_584 : memref<50x64xf32, #tpu.memory_space<vmem>>) offsets(%dma_start3A_587 : memref<50xi32, #tpu.memory_space<vmem>>) semaphore(%arg16 : memref<!tpu.dma_semaphore, #tpu.memory_space<semaphore_mem>>)
      %dma_start3A_591 = arith.constant 5 : i32
      %dma_start3A_592 = arith.constant 5 : i32
      %dma_start3A_593 = arith.constant 0 : i32
      %dma_start3A_594 = arith.constant 0 : i32
      %dma_start3A_595 = tpu.memref_slice %arg12[%dma_start3A_592, %dma_start3A_593, %dma_start3A_594] : memref<8x50x64xf32, #tpu.memory_space<vmem>> -> memref<1x50x64xf32, #tpu.memory_space<vmem>>
      %dma_start3A_596 = tpu.memref_squeeze %dma_start3A_595 : memref<1x50x64xf32, #tpu.memory_space<vmem>> -> memref<50x64xf32, #tpu.memory_space<vmem>>
      %dma_start3A_597 = arith.constant 0 : i32
      %dma_start3A_598 = tpu.memref_slice %arg8[%dma_start3A_591, %dma_start3A_597] : memref<8x50xi32, #tpu.memory_space<vmem>> -> memref<1x50xi32, #tpu.memory_space<vmem>>
      %dma_start3A_599 = tpu.memref_squeeze %dma_start3A_598 : memref<1x50xi32, #tpu.memory_space<vmem>> -> memref<50xi32, #tpu.memory_space<vmem>>
      %dma_start3A_600 = arith.constant 0 : i32
      %dma_start3A_601 = arith.constant 0 : i32
      %dma_start3A_602 = tpu.memref_slice %arg3[%dma_start3A_600, %dma_start3A_601] : memref<1000000x64xf32, #tpu.memory_space<hbm>> -> memref<1000000x64xf32, #tpu.memory_space<hbm>>
      tpu.enqueue_indirect_dma source(%dma_start3A_602 : memref<1000000x64xf32, #tpu.memory_space<hbm>>) target(%dma_start3A_596 : memref<50x64xf32, #tpu.memory_space<vmem>>) offsets(%dma_start3A_599 : memref<50xi32, #tpu.memory_space<vmem>>) semaphore(%arg16 : memref<!tpu.dma_semaphore, #tpu.memory_space<semaphore_mem>>)
      %dma_start3A_603 = arith.constant 6 : i32
      %dma_start3A_604 = arith.constant 6 : i32
      %dma_start3A_605 = arith.constant 0 : i32
      %dma_start3A_606 = arith.constant 0 : i32
      %dma_start3A_607 = tpu.memref_slice %arg12[%dma_start3A_604, %dma_start3A_605, %dma_start3A_606] : memref<8x50x64xf32, #tpu.memory_space<vmem>> -> memref<1x50x64xf32, #tpu.memory_space<vmem>>
      %dma_start3A_608 = tpu.memref_squeeze %dma_start3A_607 : memref<1x50x64xf32, #tpu.memory_space<vmem>> -> memref<50x64xf32, #tpu.memory_space<vmem>>
      %dma_start3A_609 = arith.constant 0 : i32
      %dma_start3A_610 = tpu.memref_slice %arg8[%dma_start3A_603, %dma_start3A_609] : memref<8x50xi32, #tpu.memory_space<vmem>> -> memref<1x50xi32, #tpu.memory_space<vmem>>
      %dma_start3A_611 = tpu.memref_squeeze %dma_start3A_610 : memref<1x50xi32, #tpu.memory_space<vmem>> -> memref<50xi32, #tpu.memory_space<vmem>>
      %dma_start3A_612 = arith.constant 0 : i32
      %dma_start3A_613 = arith.constant 0 : i32
      %dma_start3A_614 = tpu.memref_slice %arg3[%dma_start3A_612, %dma_start3A_613] : memref<1000000x64xf32, #tpu.memory_space<hbm>> -> memref<1000000x64xf32, #tpu.memory_space<hbm>>
      tpu.enqueue_indirect_dma source(%dma_start3A_614 : memref<1000000x64xf32, #tpu.memory_space<hbm>>) target(%dma_start3A_608 : memref<50x64xf32, #tpu.memory_space<vmem>>) offsets(%dma_start3A_611 : memref<50xi32, #tpu.memory_space<vmem>>) semaphore(%arg16 : memref<!tpu.dma_semaphore, #tpu.memory_space<semaphore_mem>>)
      %dma_start3A_615 = arith.constant 7 : i32
      %dma_start3A_616 = arith.constant 7 : i32
      %dma_start3A_617 = arith.constant 0 : i32
      %dma_start3A_618 = arith.constant 0 : i32
      %dma_start3A_619 = tpu.memref_slice %arg12[%dma_start3A_616, %dma_start3A_617, %dma_start3A_618] : memref<8x50x64xf32, #tpu.memory_space<vmem>> -> memref<1x50x64xf32, #tpu.memory_space<vmem>>
      %dma_start3A_620 = tpu.memref_squeeze %dma_start3A_619 : memref<1x50x64xf32, #tpu.memory_space<vmem>> -> memref<50x64xf32, #tpu.memory_space<vmem>>
      %dma_start3A_621 = arith.constant 0 : i32
      %dma_start3A_622 = tpu.memref_slice %arg8[%dma_start3A_615, %dma_start3A_621] : memref<8x50xi32, #tpu.memory_space<vmem>> -> memref<1x50xi32, #tpu.memory_space<vmem>>
      %dma_start3A_623 = tpu.memref_squeeze %dma_start3A_622 : memref<1x50xi32, #tpu.memory_space<vmem>> -> memref<50xi32, #tpu.memory_space<vmem>>
      %dma_start3A_624 = arith.constant 0 : i32
      %dma_start3A_625 = arith.constant 0 : i32
      %dma_start3A_626 = tpu.memref_slice %arg3[%dma_start3A_624, %dma_start3A_625] : memref<1000000x64xf32, #tpu.memory_space<hbm>> -> memref<1000000x64xf32, #tpu.memory_space<hbm>>
      tpu.enqueue_indirect_dma source(%dma_start3A_626 : memref<1000000x64xf32, #tpu.memory_space<hbm>>) target(%dma_start3A_620 : memref<50x64xf32, #tpu.memory_space<vmem>>) offsets(%dma_start3A_623 : memref<50xi32, #tpu.memory_space<vmem>>) semaphore(%arg16 : memref<!tpu.dma_semaphore, #tpu.memory_space<semaphore_mem>>)
      %gt3A_627 = arith.constant 0 : i32
      %gt3A_628 = arith.cmpi sgt, %add3A_518, %gt3A_627 : i32
      %convert_element_type3A_629 = arith.extui %gt3A_628 : i1 to i32
      %cond3A_630 = arith.constant 0 : i32
      %cond3A_631 = arith.cmpi ne, %convert_element_type3A_629, %cond3A_630 : i32
      scf.if %cond3A_631 {
        %dma_wait3A_632 = arith.constant 0 : i32
        %dma_wait3A_633 = arith.constant 0 : i32
        %dma_wait3A_634 = arith.constant 0 : i32
        %dma_wait3A_635 = arith.constant 0 : i32
        %dma_wait3A_636 = tpu.memref_slice %arg11[%dma_wait3A_633, %dma_wait3A_634, %dma_wait3A_635] : memref<8x50x64xf32, #tpu.memory_space<vmem>> -> memref<1x50x64xf32, #tpu.memory_space<vmem>>
        %dma_wait3A_637 = tpu.memref_squeeze %dma_wait3A_636 : memref<1x50x64xf32, #tpu.memory_space<vmem>> -> memref<50x64xf32, #tpu.memory_space<vmem>>
        %dma_wait3A_638 = arith.constant 0 : i32
        %dma_wait3A_639 = tpu.memref_slice %arg7[%dma_wait3A_632, %dma_wait3A_638] : memref<8x50xi32, #tpu.memory_space<vmem>> -> memref<1x50xi32, #tpu.memory_space<vmem>>
        %dma_wait3A_640 = tpu.memref_squeeze %dma_wait3A_639 : memref<1x50xi32, #tpu.memory_space<vmem>> -> memref<50xi32, #tpu.memory_space<vmem>>
        %dma_wait3A_641 = arith.constant 0 : i32
        %dma_wait3A_642 = arith.constant 0 : i32
        %dma_wait3A_643 = tpu.memref_slice %arg3[%dma_wait3A_641, %dma_wait3A_642] : memref<1000000x64xf32, #tpu.memory_space<hbm>> -> memref<1000000x64xf32, #tpu.memory_space<hbm>>
        tpu.wait_indirect_dma semaphore(%arg15 : memref<!tpu.dma_semaphore, #tpu.memory_space<semaphore_mem>>) src(%dma_wait3A_643 : memref<1000000x64xf32, #tpu.memory_space<hbm>>) dst(%dma_wait3A_637 : memref<50x64xf32, #tpu.memory_space<vmem>>)
        %dma_wait3A_644 = arith.constant 1 : i32
        %dma_wait3A_645 = arith.constant 1 : i32
        %dma_wait3A_646 = arith.constant 0 : i32
        %dma_wait3A_647 = arith.constant 0 : i32
        %dma_wait3A_648 = tpu.memref_slice %arg11[%dma_wait3A_645, %dma_wait3A_646, %dma_wait3A_647] : memref<8x50x64xf32, #tpu.memory_space<vmem>> -> memref<1x50x64xf32, #tpu.memory_space<vmem>>
        %dma_wait3A_649 = tpu.memref_squeeze %dma_wait3A_648 : memref<1x50x64xf32, #tpu.memory_space<vmem>> -> memref<50x64xf32, #tpu.memory_space<vmem>>
        %dma_wait3A_650 = arith.constant 0 : i32
        %dma_wait3A_651 = tpu.memref_slice %arg7[%dma_wait3A_644, %dma_wait3A_650] : memref<8x50xi32, #tpu.memory_space<vmem>> -> memref<1x50xi32, #tpu.memory_space<vmem>>
        %dma_wait3A_652 = tpu.memref_squeeze %dma_wait3A_651 : memref<1x50xi32, #tpu.memory_space<vmem>> -> memref<50xi32, #tpu.memory_space<vmem>>
        %dma_wait3A_653 = arith.constant 0 : i32
        %dma_wait3A_654 = arith.constant 0 : i32
        %dma_wait3A_655 = tpu.memref_slice %arg3[%dma_wait3A_653, %dma_wait3A_654] : memref<1000000x64xf32, #tpu.memory_space<hbm>> -> memref<1000000x64xf32, #tpu.memory_space<hbm>>
        tpu.wait_indirect_dma semaphore(%arg15 : memref<!tpu.dma_semaphore, #tpu.memory_space<semaphore_mem>>) src(%dma_wait3A_655 : memref<1000000x64xf32, #tpu.memory_space<hbm>>) dst(%dma_wait3A_649 : memref<50x64xf32, #tpu.memory_space<vmem>>)
        %dma_wait3A_656 = arith.constant 2 : i32
        %dma_wait3A_657 = arith.constant 2 : i32
        %dma_wait3A_658 = arith.constant 0 : i32
        %dma_wait3A_659 = arith.constant 0 : i32
        %dma_wait3A_660 = tpu.memref_slice %arg11[%dma_wait3A_657, %dma_wait3A_658, %dma_wait3A_659] : memref<8x50x64xf32, #tpu.memory_space<vmem>> -> memref<1x50x64xf32, #tpu.memory_space<vmem>>
        %dma_wait3A_661 = tpu.memref_squeeze %dma_wait3A_660 : memref<1x50x64xf32, #tpu.memory_space<vmem>> -> memref<50x64xf32, #tpu.memory_space<vmem>>
        %dma_wait3A_662 = arith.constant 0 : i32
        %dma_wait3A_663 = tpu.memref_slice %arg7[%dma_wait3A_656, %dma_wait3A_662] : memref<8x50xi32, #tpu.memory_space<vmem>> -> memref<1x50xi32, #tpu.memory_space<vmem>>
        %dma_wait3A_664 = tpu.memref_squeeze %dma_wait3A_663 : memref<1x50xi32, #tpu.memory_space<vmem>> -> memref<50xi32, #tpu.memory_space<vmem>>
        %dma_wait3A_665 = arith.constant 0 : i32
        %dma_wait3A_666 = arith.constant 0 : i32
        %dma_wait3A_667 = tpu.memref_slice %arg3[%dma_wait3A_665, %dma_wait3A_666] : memref<1000000x64xf32, #tpu.memory_space<hbm>> -> memref<1000000x64xf32, #tpu.memory_space<hbm>>
        tpu.wait_indirect_dma semaphore(%arg15 : memref<!tpu.dma_semaphore, #tpu.memory_space<semaphore_mem>>) src(%dma_wait3A_667 : memref<1000000x64xf32, #tpu.memory_space<hbm>>) dst(%dma_wait3A_661 : memref<50x64xf32, #tpu.memory_space<vmem>>)
        %dma_wait3A_668 = arith.constant 3 : i32
        %dma_wait3A_669 = arith.constant 3 : i32
        %dma_wait3A_670 = arith.constant 0 : i32
        %dma_wait3A_671 = arith.constant 0 : i32
        %dma_wait3A_672 = tpu.memref_slice %arg11[%dma_wait3A_669, %dma_wait3A_670, %dma_wait3A_671] : memref<8x50x64xf32, #tpu.memory_space<vmem>> -> memref<1x50x64xf32, #tpu.memory_space<vmem>>
        %dma_wait3A_673 = tpu.memref_squeeze %dma_wait3A_672 : memref<1x50x64xf32, #tpu.memory_space<vmem>> -> memref<50x64xf32, #tpu.memory_space<vmem>>
        %dma_wait3A_674 = arith.constant 0 : i32
        %dma_wait3A_675 = tpu.memref_slice %arg7[%dma_wait3A_668, %dma_wait3A_674] : memref<8x50xi32, #tpu.memory_space<vmem>> -> memref<1x50xi32, #tpu.memory_space<vmem>>
        %dma_wait3A_676 = tpu.memref_squeeze %dma_wait3A_675 : memref<1x50xi32, #tpu.memory_space<vmem>> -> memref<50xi32, #tpu.memory_space<vmem>>
        %dma_wait3A_677 = arith.constant 0 : i32
        %dma_wait3A_678 = arith.constant 0 : i32
        %dma_wait3A_679 = tpu.memref_slice %arg3[%dma_wait3A_677, %dma_wait3A_678] : memref<1000000x64xf32, #tpu.memory_space<hbm>> -> memref<1000000x64xf32, #tpu.memory_space<hbm>>
        tpu.wait_indirect_dma semaphore(%arg15 : memref<!tpu.dma_semaphore, #tpu.memory_space<semaphore_mem>>) src(%dma_wait3A_679 : memref<1000000x64xf32, #tpu.memory_space<hbm>>) dst(%dma_wait3A_673 : memref<50x64xf32, #tpu.memory_space<vmem>>)
        %dma_wait3A_680 = arith.constant 4 : i32
        %dma_wait3A_681 = arith.constant 4 : i32
        %dma_wait3A_682 = arith.constant 0 : i32
        %dma_wait3A_683 = arith.constant 0 : i32
        %dma_wait3A_684 = tpu.memref_slice %arg11[%dma_wait3A_681, %dma_wait3A_682, %dma_wait3A_683] : memref<8x50x64xf32, #tpu.memory_space<vmem>> -> memref<1x50x64xf32, #tpu.memory_space<vmem>>
        %dma_wait3A_685 = tpu.memref_squeeze %dma_wait3A_684 : memref<1x50x64xf32, #tpu.memory_space<vmem>> -> memref<50x64xf32, #tpu.memory_space<vmem>>
        %dma_wait3A_686 = arith.constant 0 : i32
        %dma_wait3A_687 = tpu.memref_slice %arg7[%dma_wait3A_680, %dma_wait3A_686] : memref<8x50xi32, #tpu.memory_space<vmem>> -> memref<1x50xi32, #tpu.memory_space<vmem>>
        %dma_wait3A_688 = tpu.memref_squeeze %dma_wait3A_687 : memref<1x50xi32, #tpu.memory_space<vmem>> -> memref<50xi32, #tpu.memory_space<vmem>>
        %dma_wait3A_689 = arith.constant 0 : i32
        %dma_wait3A_690 = arith.constant 0 : i32
        %dma_wait3A_691 = tpu.memref_slice %arg3[%dma_wait3A_689, %dma_wait3A_690] : memref<1000000x64xf32, #tpu.memory_space<hbm>> -> memref<1000000x64xf32, #tpu.memory_space<hbm>>
        tpu.wait_indirect_dma semaphore(%arg15 : memref<!tpu.dma_semaphore, #tpu.memory_space<semaphore_mem>>) src(%dma_wait3A_691 : memref<1000000x64xf32, #tpu.memory_space<hbm>>) dst(%dma_wait3A_685 : memref<50x64xf32, #tpu.memory_space<vmem>>)
        %dma_wait3A_692 = arith.constant 5 : i32
        %dma_wait3A_693 = arith.constant 5 : i32
        %dma_wait3A_694 = arith.constant 0 : i32
        %dma_wait3A_695 = arith.constant 0 : i32
        %dma_wait3A_696 = tpu.memref_slice %arg11[%dma_wait3A_693, %dma_wait3A_694, %dma_wait3A_695] : memref<8x50x64xf32, #tpu.memory_space<vmem>> -> memref<1x50x64xf32, #tpu.memory_space<vmem>>
        %dma_wait3A_697 = tpu.memref_squeeze %dma_wait3A_696 : memref<1x50x64xf32, #tpu.memory_space<vmem>> -> memref<50x64xf32, #tpu.memory_space<vmem>>
        %dma_wait3A_698 = arith.constant 0 : i32
        %dma_wait3A_699 = tpu.memref_slice %arg7[%dma_wait3A_692, %dma_wait3A_698] : memref<8x50xi32, #tpu.memory_space<vmem>> -> memref<1x50xi32, #tpu.memory_space<vmem>>
        %dma_wait3A_700 = tpu.memref_squeeze %dma_wait3A_699 : memref<1x50xi32, #tpu.memory_space<vmem>> -> memref<50xi32, #tpu.memory_space<vmem>>
        %dma_wait3A_701 = arith.constant 0 : i32
        %dma_wait3A_702 = arith.constant 0 : i32
        %dma_wait3A_703 = tpu.memref_slice %arg3[%dma_wait3A_701, %dma_wait3A_702] : memref<1000000x64xf32, #tpu.memory_space<hbm>> -> memref<1000000x64xf32, #tpu.memory_space<hbm>>
        tpu.wait_indirect_dma semaphore(%arg15 : memref<!tpu.dma_semaphore, #tpu.memory_space<semaphore_mem>>) src(%dma_wait3A_703 : memref<1000000x64xf32, #tpu.memory_space<hbm>>) dst(%dma_wait3A_697 : memref<50x64xf32, #tpu.memory_space<vmem>>)
        %dma_wait3A_704 = arith.constant 6 : i32
        %dma_wait3A_705 = arith.constant 6 : i32
        %dma_wait3A_706 = arith.constant 0 : i32
        %dma_wait3A_707 = arith.constant 0 : i32
        %dma_wait3A_708 = tpu.memref_slice %arg11[%dma_wait3A_705, %dma_wait3A_706, %dma_wait3A_707] : memref<8x50x64xf32, #tpu.memory_space<vmem>> -> memref<1x50x64xf32, #tpu.memory_space<vmem>>
        %dma_wait3A_709 = tpu.memref_squeeze %dma_wait3A_708 : memref<1x50x64xf32, #tpu.memory_space<vmem>> -> memref<50x64xf32, #tpu.memory_space<vmem>>
        %dma_wait3A_710 = arith.constant 0 : i32
        %dma_wait3A_711 = tpu.memref_slice %arg7[%dma_wait3A_704, %dma_wait3A_710] : memref<8x50xi32, #tpu.memory_space<vmem>> -> memref<1x50xi32, #tpu.memory_space<vmem>>
        %dma_wait3A_712 = tpu.memref_squeeze %dma_wait3A_711 : memref<1x50xi32, #tpu.memory_space<vmem>> -> memref<50xi32, #tpu.memory_space<vmem>>
        %dma_wait3A_713 = arith.constant 0 : i32
        %dma_wait3A_714 = arith.constant 0 : i32
        %dma_wait3A_715 = tpu.memref_slice %arg3[%dma_wait3A_713, %dma_wait3A_714] : memref<1000000x64xf32, #tpu.memory_space<hbm>> -> memref<1000000x64xf32, #tpu.memory_space<hbm>>
        tpu.wait_indirect_dma semaphore(%arg15 : memref<!tpu.dma_semaphore, #tpu.memory_space<semaphore_mem>>) src(%dma_wait3A_715 : memref<1000000x64xf32, #tpu.memory_space<hbm>>) dst(%dma_wait3A_709 : memref<50x64xf32, #tpu.memory_space<vmem>>)
        %dma_wait3A_716 = arith.constant 7 : i32
        %dma_wait3A_717 = arith.constant 7 : i32
        %dma_wait3A_718 = arith.constant 0 : i32
        %dma_wait3A_719 = arith.constant 0 : i32
        %dma_wait3A_720 = tpu.memref_slice %arg11[%dma_wait3A_717, %dma_wait3A_718, %dma_wait3A_719] : memref<8x50x64xf32, #tpu.memory_space<vmem>> -> memref<1x50x64xf32, #tpu.memory_space<vmem>>
        %dma_wait3A_721 = tpu.memref_squeeze %dma_wait3A_720 : memref<1x50x64xf32, #tpu.memory_space<vmem>> -> memref<50x64xf32, #tpu.memory_space<vmem>>
        %dma_wait3A_722 = arith.constant 0 : i32
        %dma_wait3A_723 = tpu.memref_slice %arg7[%dma_wait3A_716, %dma_wait3A_722] : memref<8x50xi32, #tpu.memory_space<vmem>> -> memref<1x50xi32, #tpu.memory_space<vmem>>
        %dma_wait3A_724 = tpu.memref_squeeze %dma_wait3A_723 : memref<1x50xi32, #tpu.memory_space<vmem>> -> memref<50xi32, #tpu.memory_space<vmem>>
        %dma_wait3A_725 = arith.constant 0 : i32
        %dma_wait3A_726 = arith.constant 0 : i32
        %dma_wait3A_727 = tpu.memref_slice %arg3[%dma_wait3A_725, %dma_wait3A_726] : memref<1000000x64xf32, #tpu.memory_space<hbm>> -> memref<1000000x64xf32, #tpu.memory_space<hbm>>
        tpu.wait_indirect_dma semaphore(%arg15 : memref<!tpu.dma_semaphore, #tpu.memory_space<semaphore_mem>>) src(%dma_wait3A_727 : memref<1000000x64xf32, #tpu.memory_space<hbm>>) dst(%dma_wait3A_721 : memref<50x64xf32, #tpu.memory_space<vmem>>)
        %sub3A = arith.constant 1 : i32
        %sub3A_728 = arith.subi %add3A_518, %sub3A : i32
        %mul3A_729 = arith.constant 8 : i32
        %mul3A_730 = arith.muli %sub3A_728, %mul3A_729 : i32
        %add3A_731 = arith.addi %mul3A_2, %mul3A_730 : i32
        %dma_start3A_732 = arith.constant 0 : i32
        %dma_start3A_733 = arith.constant 0 : i32
        %dma_start3A_734 = tpu.memref_slice %arg4[%add3A_731, %dma_start3A_732, %dma_start3A_733] : memref<16384x56x128xf32, #tpu.memory_space<hbm>> -> memref<8x50x64xf32, #tpu.memory_space<hbm>>
        %dma_start3A_735 = arith.constant 0 : i32
        %dma_start3A_736 = arith.constant 0 : i32
        %dma_start3A_737 = tpu.memref_slice %arg4[%add3A_731, %dma_start3A_735, %dma_start3A_736] : memref<16384x56x128xf32, #tpu.memory_space<hbm>> -> memref<8x50x64xf32, #tpu.memory_space<hbm>>
        tpu.enqueue_dma source(%arg11 : memref<8x50x64xf32, #tpu.memory_space<vmem>>) target(%dma_start3A_737 : memref<8x50x64xf32, #tpu.memory_space<hbm>>) target_semaphore(%arg23 : memref<!tpu.dma_semaphore, #tpu.memory_space<semaphore_mem>>)
        %add3A_738 = arith.constant 4 : i32
        %add3A_739 = arith.addi %add3A_518, %add3A_738 : i32
        %sub3A_740 = arith.constant 1 : i32
        %sub3A_741 = arith.subi %add3A_739, %sub3A_740 : i32
        %lt3A = arith.constant 64 : i32
        %lt3A_742 = arith.cmpi slt, %sub3A_741, %lt3A : i32
        %convert_element_type3A_743 = arith.extui %lt3A_742 : i1 to i32
        %cond3A_744 = arith.constant 0 : i32
        %cond3A_745 = arith.cmpi ne, %convert_element_type3A_743, %cond3A_744 : i32
        scf.if %cond3A_745 {
          %add3A_746 = arith.constant 4 : i32
          %add3A_747 = arith.addi %add3A_518, %add3A_746 : i32
          %sub3A_748 = arith.constant 1 : i32
          %sub3A_749 = arith.subi %add3A_747, %sub3A_748 : i32
          %mul3A_750 = arith.constant 8 : i32
          %mul3A_751 = arith.muli %sub3A_749, %mul3A_750 : i32
          %add3A_752 = arith.addi %mul3A_2, %mul3A_751 : i32
          %dma_start3A_753 = arith.constant 0 : i32
          %dma_start3A_754 = tpu.memref_slice %arg2[%add3A_752, %dma_start3A_753] : memref<16384x50xi32, #tpu.memory_space<hbm>> -> memref<8x50xi32, #tpu.memory_space<hbm>>
          %dma_start3A_755 = arith.constant 0 : i32
          %dma_start3A_756 = tpu.memref_slice %arg2[%add3A_752, %dma_start3A_755] : memref<16384x50xi32, #tpu.memory_space<hbm>> -> memref<8x50xi32, #tpu.memory_space<hbm>>
          tpu.enqueue_dma source(%dma_start3A_756 : memref<8x50xi32, #tpu.memory_space<hbm>>) target(%arg7 : memref<8x50xi32, #tpu.memory_space<vmem>>) target_semaphore(%arg19 : memref<!tpu.dma_semaphore, #tpu.memory_space<semaphore_mem>>)
        } else {
        }
      } else {
      }
    }
    %scan3A_30 = arith.constant 16 : i32
    %dma_wait3A = arith.constant 0 : i32
    %dma_wait3A_31 = arith.constant 0 : i32
    %dma_wait3A_32 = arith.constant 0 : i32
    %dma_wait3A_33 = arith.constant 0 : i32
    %dma_wait3A_34 = tpu.memref_slice %arg12[%dma_wait3A_31, %dma_wait3A_32, %dma_wait3A_33] : memref<8x50x64xf32, #tpu.memory_space<vmem>> -> memref<1x50x64xf32, #tpu.memory_space<vmem>>
    %dma_wait3A_35 = tpu.memref_squeeze %dma_wait3A_34 : memref<1x50x64xf32, #tpu.memory_space<vmem>> -> memref<50x64xf32, #tpu.memory_space<vmem>>
    %dma_wait3A_36 = arith.constant 0 : i32
    %dma_wait3A_37 = tpu.memref_slice %arg8[%dma_wait3A, %dma_wait3A_36] : memref<8x50xi32, #tpu.memory_space<vmem>> -> memref<1x50xi32, #tpu.memory_space<vmem>>
    %dma_wait3A_38 = tpu.memref_squeeze %dma_wait3A_37 : memref<1x50xi32, #tpu.memory_space<vmem>> -> memref<50xi32, #tpu.memory_space<vmem>>
    %dma_wait3A_39 = arith.constant 0 : i32
    %dma_wait3A_40 = arith.constant 0 : i32
    %dma_wait3A_41 = tpu.memref_slice %arg3[%dma_wait3A_39, %dma_wait3A_40] : memref<1000000x64xf32, #tpu.memory_space<hbm>> -> memref<1000000x64xf32, #tpu.memory_space<hbm>>
    tpu.wait_indirect_dma semaphore(%arg16 : memref<!tpu.dma_semaphore, #tpu.memory_space<semaphore_mem>>) src(%dma_wait3A_41 : memref<1000000x64xf32, #tpu.memory_space<hbm>>) dst(%dma_wait3A_35 : memref<50x64xf32, #tpu.memory_space<vmem>>)
    %dma_wait3A_42 = arith.constant 1 : i32
    %dma_wait3A_43 = arith.constant 1 : i32
    %dma_wait3A_44 = arith.constant 0 : i32
    %dma_wait3A_45 = arith.constant 0 : i32
    %dma_wait3A_46 = tpu.memref_slice %arg12[%dma_wait3A_43, %dma_wait3A_44, %dma_wait3A_45] : memref<8x50x64xf32, #tpu.memory_space<vmem>> -> memref<1x50x64xf32, #tpu.memory_space<vmem>>
    %dma_wait3A_47 = tpu.memref_squeeze %dma_wait3A_46 : memref<1x50x64xf32, #tpu.memory_space<vmem>> -> memref<50x64xf32, #tpu.memory_space<vmem>>
    %dma_wait3A_48 = arith.constant 0 : i32
    %dma_wait3A_49 = tpu.memref_slice %arg8[%dma_wait3A_42, %dma_wait3A_48] : memref<8x50xi32, #tpu.memory_space<vmem>> -> memref<1x50xi32, #tpu.memory_space<vmem>>
    %dma_wait3A_50 = tpu.memref_squeeze %dma_wait3A_49 : memref<1x50xi32, #tpu.memory_space<vmem>> -> memref<50xi32, #tpu.memory_space<vmem>>
    %dma_wait3A_51 = arith.constant 0 : i32
    %dma_wait3A_52 = arith.constant 0 : i32
    %dma_wait3A_53 = tpu.memref_slice %arg3[%dma_wait3A_51, %dma_wait3A_52] : memref<1000000x64xf32, #tpu.memory_space<hbm>> -> memref<1000000x64xf32, #tpu.memory_space<hbm>>
    tpu.wait_indirect_dma semaphore(%arg16 : memref<!tpu.dma_semaphore, #tpu.memory_space<semaphore_mem>>) src(%dma_wait3A_53 : memref<1000000x64xf32, #tpu.memory_space<hbm>>) dst(%dma_wait3A_47 : memref<50x64xf32, #tpu.memory_space<vmem>>)
    %dma_wait3A_54 = arith.constant 2 : i32
    %dma_wait3A_55 = arith.constant 2 : i32
    %dma_wait3A_56 = arith.constant 0 : i32
    %dma_wait3A_57 = arith.constant 0 : i32
    %dma_wait3A_58 = tpu.memref_slice %arg12[%dma_wait3A_55, %dma_wait3A_56, %dma_wait3A_57] : memref<8x50x64xf32, #tpu.memory_space<vmem>> -> memref<1x50x64xf32, #tpu.memory_space<vmem>>
    %dma_wait3A_59 = tpu.memref_squeeze %dma_wait3A_58 : memref<1x50x64xf32, #tpu.memory_space<vmem>> -> memref<50x64xf32, #tpu.memory_space<vmem>>
    %dma_wait3A_60 = arith.constant 0 : i32
    %dma_wait3A_61 = tpu.memref_slice %arg8[%dma_wait3A_54, %dma_wait3A_60] : memref<8x50xi32, #tpu.memory_space<vmem>> -> memref<1x50xi32, #tpu.memory_space<vmem>>
    %dma_wait3A_62 = tpu.memref_squeeze %dma_wait3A_61 : memref<1x50xi32, #tpu.memory_space<vmem>> -> memref<50xi32, #tpu.memory_space<vmem>>
    %dma_wait3A_63 = arith.constant 0 : i32
    %dma_wait3A_64 = arith.constant 0 : i32
    %dma_wait3A_65 = tpu.memref_slice %arg3[%dma_wait3A_63, %dma_wait3A_64] : memref<1000000x64xf32, #tpu.memory_space<hbm>> -> memref<1000000x64xf32, #tpu.memory_space<hbm>>
    tpu.wait_indirect_dma semaphore(%arg16 : memref<!tpu.dma_semaphore, #tpu.memory_space<semaphore_mem>>) src(%dma_wait3A_65 : memref<1000000x64xf32, #tpu.memory_space<hbm>>) dst(%dma_wait3A_59 : memref<50x64xf32, #tpu.memory_space<vmem>>)
    %dma_wait3A_66 = arith.constant 3 : i32
    %dma_wait3A_67 = arith.constant 3 : i32
    %dma_wait3A_68 = arith.constant 0 : i32
    %dma_wait3A_69 = arith.constant 0 : i32
    %dma_wait3A_70 = tpu.memref_slice %arg12[%dma_wait3A_67, %dma_wait3A_68, %dma_wait3A_69] : memref<8x50x64xf32, #tpu.memory_space<vmem>> -> memref<1x50x64xf32, #tpu.memory_space<vmem>>
    %dma_wait3A_71 = tpu.memref_squeeze %dma_wait3A_70 : memref<1x50x64xf32, #tpu.memory_space<vmem>> -> memref<50x64xf32, #tpu.memory_space<vmem>>
    %dma_wait3A_72 = arith.constant 0 : i32
    %dma_wait3A_73 = tpu.memref_slice %arg8[%dma_wait3A_66, %dma_wait3A_72] : memref<8x50xi32, #tpu.memory_space<vmem>> -> memref<1x50xi32, #tpu.memory_space<vmem>>
    %dma_wait3A_74 = tpu.memref_squeeze %dma_wait3A_73 : memref<1x50xi32, #tpu.memory_space<vmem>> -> memref<50xi32, #tpu.memory_space<vmem>>
    %dma_wait3A_75 = arith.constant 0 : i32
    %dma_wait3A_76 = arith.constant 0 : i32
    %dma_wait3A_77 = tpu.memref_slice %arg3[%dma_wait3A_75, %dma_wait3A_76] : memref<1000000x64xf32, #tpu.memory_space<hbm>> -> memref<1000000x64xf32, #tpu.memory_space<hbm>>
    tpu.wait_indirect_dma semaphore(%arg16 : memref<!tpu.dma_semaphore, #tpu.memory_space<semaphore_mem>>) src(%dma_wait3A_77 : memref<1000000x64xf32, #tpu.memory_space<hbm>>) dst(%dma_wait3A_71 : memref<50x64xf32, #tpu.memory_space<vmem>>)
    %dma_wait3A_78 = arith.constant 4 : i32
    %dma_wait3A_79 = arith.constant 4 : i32
    %dma_wait3A_80 = arith.constant 0 : i32
    %dma_wait3A_81 = arith.constant 0 : i32
    %dma_wait3A_82 = tpu.memref_slice %arg12[%dma_wait3A_79, %dma_wait3A_80, %dma_wait3A_81] : memref<8x50x64xf32, #tpu.memory_space<vmem>> -> memref<1x50x64xf32, #tpu.memory_space<vmem>>
    %dma_wait3A_83 = tpu.memref_squeeze %dma_wait3A_82 : memref<1x50x64xf32, #tpu.memory_space<vmem>> -> memref<50x64xf32, #tpu.memory_space<vmem>>
    %dma_wait3A_84 = arith.constant 0 : i32
    %dma_wait3A_85 = tpu.memref_slice %arg8[%dma_wait3A_78, %dma_wait3A_84] : memref<8x50xi32, #tpu.memory_space<vmem>> -> memref<1x50xi32, #tpu.memory_space<vmem>>
    %dma_wait3A_86 = tpu.memref_squeeze %dma_wait3A_85 : memref<1x50xi32, #tpu.memory_space<vmem>> -> memref<50xi32, #tpu.memory_space<vmem>>
    %dma_wait3A_87 = arith.constant 0 : i32
    %dma_wait3A_88 = arith.constant 0 : i32
    %dma_wait3A_89 = tpu.memref_slice %arg3[%dma_wait3A_87, %dma_wait3A_88] : memref<1000000x64xf32, #tpu.memory_space<hbm>> -> memref<1000000x64xf32, #tpu.memory_space<hbm>>
    tpu.wait_indirect_dma semaphore(%arg16 : memref<!tpu.dma_semaphore, #tpu.memory_space<semaphore_mem>>) src(%dma_wait3A_89 : memref<1000000x64xf32, #tpu.memory_space<hbm>>) dst(%dma_wait3A_83 : memref<50x64xf32, #tpu.memory_space<vmem>>)
    %dma_wait3A_90 = arith.constant 5 : i32
    %dma_wait3A_91 = arith.constant 5 : i32
    %dma_wait3A_92 = arith.constant 0 : i32
    %dma_wait3A_93 = arith.constant 0 : i32
    %dma_wait3A_94 = tpu.memref_slice %arg12[%dma_wait3A_91, %dma_wait3A_92, %dma_wait3A_93] : memref<8x50x64xf32, #tpu.memory_space<vmem>> -> memref<1x50x64xf32, #tpu.memory_space<vmem>>
    %dma_wait3A_95 = tpu.memref_squeeze %dma_wait3A_94 : memref<1x50x64xf32, #tpu.memory_space<vmem>> -> memref<50x64xf32, #tpu.memory_space<vmem>>
    %dma_wait3A_96 = arith.constant 0 : i32
    %dma_wait3A_97 = tpu.memref_slice %arg8[%dma_wait3A_90, %dma_wait3A_96] : memref<8x50xi32, #tpu.memory_space<vmem>> -> memref<1x50xi32, #tpu.memory_space<vmem>>
    %dma_wait3A_98 = tpu.memref_squeeze %dma_wait3A_97 : memref<1x50xi32, #tpu.memory_space<vmem>> -> memref<50xi32, #tpu.memory_space<vmem>>
    %dma_wait3A_99 = arith.constant 0 : i32
    %dma_wait3A_100 = arith.constant 0 : i32
    %dma_wait3A_101 = tpu.memref_slice %arg3[%dma_wait3A_99, %dma_wait3A_100] : memref<1000000x64xf32, #tpu.memory_space<hbm>> -> memref<1000000x64xf32, #tpu.memory_space<hbm>>
    tpu.wait_indirect_dma semaphore(%arg16 : memref<!tpu.dma_semaphore, #tpu.memory_space<semaphore_mem>>) src(%dma_wait3A_101 : memref<1000000x64xf32, #tpu.memory_space<hbm>>) dst(%dma_wait3A_95 : memref<50x64xf32, #tpu.memory_space<vmem>>)
    %dma_wait3A_102 = arith.constant 6 : i32
    %dma_wait3A_103 = arith.constant 6 : i32
    %dma_wait3A_104 = arith.constant 0 : i32
    %dma_wait3A_105 = arith.constant 0 : i32
    %dma_wait3A_106 = tpu.memref_slice %arg12[%dma_wait3A_103, %dma_wait3A_104, %dma_wait3A_105] : memref<8x50x64xf32, #tpu.memory_space<vmem>> -> memref<1x50x64xf32, #tpu.memory_space<vmem>>
    %dma_wait3A_107 = tpu.memref_squeeze %dma_wait3A_106 : memref<1x50x64xf32, #tpu.memory_space<vmem>> -> memref<50x64xf32, #tpu.memory_space<vmem>>
    %dma_wait3A_108 = arith.constant 0 : i32
    %dma_wait3A_109 = tpu.memref_slice %arg8[%dma_wait3A_102, %dma_wait3A_108] : memref<8x50xi32, #tpu.memory_space<vmem>> -> memref<1x50xi32, #tpu.memory_space<vmem>>
    %dma_wait3A_110 = tpu.memref_squeeze %dma_wait3A_109 : memref<1x50xi32, #tpu.memory_space<vmem>> -> memref<50xi32, #tpu.memory_space<vmem>>
    %dma_wait3A_111 = arith.constant 0 : i32
    %dma_wait3A_112 = arith.constant 0 : i32
    %dma_wait3A_113 = tpu.memref_slice %arg3[%dma_wait3A_111, %dma_wait3A_112] : memref<1000000x64xf32, #tpu.memory_space<hbm>> -> memref<1000000x64xf32, #tpu.memory_space<hbm>>
    tpu.wait_indirect_dma semaphore(%arg16 : memref<!tpu.dma_semaphore, #tpu.memory_space<semaphore_mem>>) src(%dma_wait3A_113 : memref<1000000x64xf32, #tpu.memory_space<hbm>>) dst(%dma_wait3A_107 : memref<50x64xf32, #tpu.memory_space<vmem>>)
    %dma_wait3A_114 = arith.constant 7 : i32
    %dma_wait3A_115 = arith.constant 7 : i32
    %dma_wait3A_116 = arith.constant 0 : i32
    %dma_wait3A_117 = arith.constant 0 : i32
    %dma_wait3A_118 = tpu.memref_slice %arg12[%dma_wait3A_115, %dma_wait3A_116, %dma_wait3A_117] : memref<8x50x64xf32, #tpu.memory_space<vmem>> -> memref<1x50x64xf32, #tpu.memory_space<vmem>>
    %dma_wait3A_119 = tpu.memref_squeeze %dma_wait3A_118 : memref<1x50x64xf32, #tpu.memory_space<vmem>> -> memref<50x64xf32, #tpu.memory_space<vmem>>
    %dma_wait3A_120 = arith.constant 0 : i32
    %dma_wait3A_121 = tpu.memref_slice %arg8[%dma_wait3A_114, %dma_wait3A_120] : memref<8x50xi32, #tpu.memory_space<vmem>> -> memref<1x50xi32, #tpu.memory_space<vmem>>
    %dma_wait3A_122 = tpu.memref_squeeze %dma_wait3A_121 : memref<1x50xi32, #tpu.memory_space<vmem>> -> memref<50xi32, #tpu.memory_space<vmem>>
    %dma_wait3A_123 = arith.constant 0 : i32
    %dma_wait3A_124 = arith.constant 0 : i32
    %dma_wait3A_125 = tpu.memref_slice %arg3[%dma_wait3A_123, %dma_wait3A_124] : memref<1000000x64xf32, #tpu.memory_space<hbm>> -> memref<1000000x64xf32, #tpu.memory_space<hbm>>
    tpu.wait_indirect_dma semaphore(%arg16 : memref<!tpu.dma_semaphore, #tpu.memory_space<semaphore_mem>>) src(%dma_wait3A_125 : memref<1000000x64xf32, #tpu.memory_space<hbm>>) dst(%dma_wait3A_119 : memref<50x64xf32, #tpu.memory_space<vmem>>)
    %add3A_126 = arith.constant 504 : i32
    %add3A_127 = arith.addi %mul3A_2, %add3A_126 : i32
    %dma_start3A_128 = arith.constant 0 : i32
    %dma_start3A_129 = arith.constant 0 : i32
    %dma_start3A_130 = tpu.memref_slice %arg4[%add3A_127, %dma_start3A_128, %dma_start3A_129] : memref<16384x56x128xf32, #tpu.memory_space<hbm>> -> memref<8x50x64xf32, #tpu.memory_space<hbm>>
    %dma_start3A_131 = arith.constant 0 : i32
    %dma_start3A_132 = arith.constant 0 : i32
    %dma_start3A_133 = tpu.memref_slice %arg4[%add3A_127, %dma_start3A_131, %dma_start3A_132] : memref<16384x56x128xf32, #tpu.memory_space<hbm>> -> memref<8x50x64xf32, #tpu.memory_space<hbm>>
    tpu.enqueue_dma source(%arg12 : memref<8x50x64xf32, #tpu.memory_space<vmem>>) target(%dma_start3A_133 : memref<8x50x64xf32, #tpu.memory_space<hbm>>) target_semaphore(%arg24 : memref<!tpu.dma_semaphore, #tpu.memory_space<semaphore_mem>>)
    %add3A_134 = arith.constant 480 : i32
    %add3A_135 = arith.addi %mul3A_2, %add3A_134 : i32
    %dma_wait3A_136 = arith.constant 0 : i32
    %dma_wait3A_137 = arith.constant 0 : i32
    %dma_wait3A_138 = tpu.memref_slice %arg4[%add3A_135, %dma_wait3A_136, %dma_wait3A_137] : memref<16384x56x128xf32, #tpu.memory_space<hbm>> -> memref<8x50x64xf32, #tpu.memory_space<hbm>>
    %dma_wait3A_139 = arith.constant 0 : i32
    %dma_wait3A_140 = arith.constant 0 : i32
    %dma_wait3A_141 = tpu.memref_slice %arg4[%add3A_135, %dma_wait3A_139, %dma_wait3A_140] : memref<16384x56x128xf32, #tpu.memory_space<hbm>> -> memref<8x50x64xf32, #tpu.memory_space<hbm>>
    tpu.wait_dma2 semaphore(%arg21 : memref<!tpu.dma_semaphore, #tpu.memory_space<semaphore_mem>>) src(%arg9 : memref<8x50x64xf32, #tpu.memory_space<vmem>>) dst(%dma_wait3A_141 : memref<8x50x64xf32, #tpu.memory_space<hbm>>)
    %add3A_142 = arith.constant 488 : i32
    %add3A_143 = arith.addi %mul3A_2, %add3A_142 : i32
    %dma_wait3A_144 = arith.constant 0 : i32
    %dma_wait3A_145 = arith.constant 0 : i32
    %dma_wait3A_146 = tpu.memref_slice %arg4[%add3A_143, %dma_wait3A_144, %dma_wait3A_145] : memref<16384x56x128xf32, #tpu.memory_space<hbm>> -> memref<8x50x64xf32, #tpu.memory_space<hbm>>
    %dma_wait3A_147 = arith.constant 0 : i32
    %dma_wait3A_148 = arith.constant 0 : i32
    %dma_wait3A_149 = tpu.memref_slice %arg4[%add3A_143, %dma_wait3A_147, %dma_wait3A_148] : memref<16384x56x128xf32, #tpu.memory_space<hbm>> -> memref<8x50x64xf32, #tpu.memory_space<hbm>>
    tpu.wait_dma2 semaphore(%arg22 : memref<!tpu.dma_semaphore, #tpu.memory_space<semaphore_mem>>) src(%arg10 : memref<8x50x64xf32, #tpu.memory_space<vmem>>) dst(%dma_wait3A_149 : memref<8x50x64xf32, #tpu.memory_space<hbm>>)
    %add3A_150 = arith.constant 496 : i32
    %add3A_151 = arith.addi %mul3A_2, %add3A_150 : i32
    %dma_wait3A_152 = arith.constant 0 : i32
    %dma_wait3A_153 = arith.constant 0 : i32
    %dma_wait3A_154 = tpu.memref_slice %arg4[%add3A_151, %dma_wait3A_152, %dma_wait3A_153] : memref<16384x56x128xf32, #tpu.memory_space<hbm>> -> memref<8x50x64xf32, #tpu.memory_space<hbm>>
    %dma_wait3A_155 = arith.constant 0 : i32
    %dma_wait3A_156 = arith.constant 0 : i32
    %dma_wait3A_157 = tpu.memref_slice %arg4[%add3A_151, %dma_wait3A_155, %dma_wait3A_156] : memref<16384x56x128xf32, #tpu.memory_space<hbm>> -> memref<8x50x64xf32, #tpu.memory_space<hbm>>
    tpu.wait_dma2 semaphore(%arg23 : memref<!tpu.dma_semaphore, #tpu.memory_space<semaphore_mem>>) src(%arg11 : memref<8x50x64xf32, #tpu.memory_space<vmem>>) dst(%dma_wait3A_157 : memref<8x50x64xf32, #tpu.memory_space<hbm>>)
    %add3A_158 = arith.constant 504 : i32
    %add3A_159 = arith.addi %mul3A_2, %add3A_158 : i32
    %dma_wait3A_160 = arith.constant 0 : i32
    %dma_wait3A_161 = arith.constant 0 : i32
    %dma_wait3A_162 = tpu.memref_slice %arg4[%add3A_159, %dma_wait3A_160, %dma_wait3A_161] : memref<16384x56x128xf32, #tpu.memory_space<hbm>> -> memref<8x50x64xf32, #tpu.memory_space<hbm>>
    %dma_wait3A_163 = arith.constant 0 : i32
    %dma_wait3A_164 = arith.constant 0 : i32
    %dma_wait3A_165 = tpu.memref_slice %arg4[%add3A_159, %dma_wait3A_163, %dma_wait3A_164] : memref<16384x56x128xf32, #tpu.memory_space<hbm>> -> memref<8x50x64xf32, #tpu.memory_space<hbm>>
    tpu.wait_dma2 semaphore(%arg24 : memref<!tpu.dma_semaphore, #tpu.memory_space<semaphore_mem>>) src(%arg12 : memref<8x50x64xf32, #tpu.memory_space<vmem>>) dst(%dma_wait3A_165 : memref<8x50x64xf32, #tpu.memory_space<hbm>>)
    return
  }
}

</mosaic_0001>

<sc_bundles>
// kernel: kernel.3.cloned.1.call-start
scs
__scs_entry_jumppad:
0x0: {  	(pc) =	sbr.rel $0x88, $3  }
0x1: {  	(tag) =	ssettag $0x0;
	lr =	simm.s32 $0x1  }
0x2: {  	[smem:$0x3F9F] =	sst lr;
	_ =	strace $0xD0000000  }
0x3: {  	_ = 	snop  }
0x4: {  	_ = 	snop  }
0x5: {  	_ = 	snop  }
0x6: {  	_ = 	snop  }
0x7: {  	_ = 	snop  }
__scs_overlays_trampoline_lowered:
0x8: {  	[smem:$0x3FAE] =	sst s0  }
0x9: {  	[smem:$0x3FAF] =	sst s1  }
0xa: {  	[smem:$0x3FB0] =	sst s2  }
0xb: {  	[smem:$0x3FB1] =	sst s3  }
0xc: {  	[smem:$0x3FB2] =	sst s4  }
0xd: {  	[smem:$0x3FB3] =	sst s5  }
0xe: {  	[smem:$0x3FB4] =	sst s6  }
0xf: {  	[smem:$0x3FB5] =	sst s7  }
0x10: {  	[smem:$0x3FB6] =	sst s8  }
0x11: {  	[smem:$0x3FB7] =	sst s9;
	s0 =	simm.s32 @!p0 $0x0  }
0x12: {  	s1 =	sld [smem:$0x3F9D];
	s0 =	simm.s32 @p0 $0x1  }
0x13: {  	[smem:$0x3FB8] =	sst s0;
	s0 =	simm.s32 @!p1 $0x0  }
0x14: {  	s2 =	sld [smem:$0x3F9C];
	s0 =	simm.s32 @p1 $0x1  }
0x15: {  	[smem:$0x3FB9] =	sst s0;
	s0 =	simm.s32 @!p2 $0x0  }
0x16: {  	s3 =	sld [smem:$0x3FDB];
	s0 =	simm.s32 @p2 $0x1  }
0x17: {  	s4 =	simm.s32 $0x1BF5;
	[smem:$0x3FBB] =	sst s0  }
0x18: {  	s0 =	sld [smem:$0x3F9E];
	_ =	swait.ge [sflag:s4], $0x0  }
0x19: {  	s7 =	sld [smem:$0x3F9F]  }
0x1a: {  	s8 =	sadd.s32 $0xFFFFE003, lr  }
0x1b: {  	s9 =	sadd.s32 $0xFFFFFEF7, lr;
	s5 =	simm.s32 $0xFFFFFFFF;
	p2 =	slt.u32 s8, $0xFFFFF086  }
0x1c: {  	p1 =	slt.u32 s9, $0xF7A;
	s5 =	simm.s32 @!p2 $0x0  }
0x1d: {  	s5 =	simm.s32 @p1 $0x1;
	p0 =	seq.s32 s7, s2  }
0x1e: {  	s7 =	smul.u32 @!p0 $0xF7A, s2;
	p2 =	seq.s32 @!p0 s5, $0x0  }
0x1f: {  	s9 =	smul.u32 $0xF7A, s1;
	s8 =	simm.s32 @!p0 $0x1BF5;
	p2 =	por !p2, p0  }
0x20: {  	[sflag:s8] =	ssyncset.s32 @!p0 $0xFFFFF086;
	s6 =	sadd.s32 @!p0 s3, s7;
	s7 =	simm.s32 @!p0 $0x108  }
0x21: {  	s3 =	sadd.s32 s3, s9;
	s6 =	sadd.s32 @!p0 $0x88, s6;
	s7 =	simm.s32 @p2 $0x1082  }
0x22: {  	[simem:s7], [sflag:s8] =	dma.local @!p0 [hbm:s6], $0xF7A  }
0x23: {  	s9 =	sor.u32 $0xD0000000, s2;
	s6 =	simm.s32 $0x108;
	_ =	swait.ge @!p0 [sflag:s8], $0x0  }
0x24: {  	s3 =	sadd.s32 $0x88, s3;
	s6 =	simm.s32 @!p1 $0x1082;
	[sflag:s4] =	ssyncset.s32 $0xFFFFF086  }
0x25: {  	[simem:s6], [sflag:s4] =	dma.local [hbm:s3], $0xF7A  }
0x26: {  	[smem:$0x3F9F] =	sst s1;
	(tag) =	ssettag s2;
	_ =	strace s9  }
0x27: {  	s1 =	sld [smem:$0x3FAF]  }
0x28: {  	s2 =	sld [smem:$0x3FB0]  }
0x29: {  	s4 =	sld [smem:$0x3FB2]  }
0x2a: {  	p0 =	seq.s32 s5, $0x0;
	s5 =	sld [smem:$0x3FB3]  }
0x2b: {  	s6 =	sld [smem:$0x3FB4]  }
0x2c: {  	s7 =	sld [smem:$0x3FB5]  }
0x2d: {  	s3 =	simm.s32 $0x108;
	s8 =	sld [smem:$0x3FB6]  }
0x2e: {  	s3 =	simm.s32 @!p0 $0x1082;
	s9 =	sld [smem:$0x3FB7]  }
0x2f: {  	lr =	sadd.s32 s0, s3;
	s0 =	sld [smem:$0x3FAE]  }
0x30: {  	s3 =	sld [smem:$0x3FB1]  }
0x31: {  	[smem:$0x3FBA] =	sst s10  }
0x32: {  	s10 =	sld [smem:$0x3FB8];
	_ =	sdelay $0x3  }
0x33: {  	p0 =	seq.s32 s10, $0x1;
	s10 =	sld [smem:$0x3FBA];
	_ =	sdelay $0x3  }
0x34: {  	[smem:$0x3FBA] =	sst s10  }
0x35: {  	s10 =	sld [smem:$0x3FB9];
	_ =	sdelay $0x3  }
0x36: {  	p1 =	seq.s32 s10, $0x1;
	s10 =	sld [smem:$0x3FBA];
	_ =	sdelay $0x3  }
0x37: {  	[smem:$0x3FBA] =	sst s10  }
0x38: {  	s10 =	sld [smem:$0x3FBB]  }
0x39: {  	_ = 	snop;
	(pc) =	sbr.ind lr, $3  }
0x3a: {  	_ = 	snop  }
0x3b: {  	_ = 	snop  }
0x3c: {  	p2 =	seq.s32 s10, $0x1;
	s10 =	sld [smem:$0x3FBA]  }
0x3d: {  	_ =	shalt  }
0x3e: {  	_ =	shalt  }
0x3f: {  	_ =	shalt  }
0x40: {  	_ =	shalt  }
0x41: {  	_ =	shalt  }
0x42: {  	_ =	shalt  }
0x43: {  	_ =	shalt  }
0x44: {  	_ =	shalt  }
0x45: {  	_ =	shalt  }
0x46: {  	_ =	shalt  }
0x47: {  	_ =	shalt  }
0x48: {  	_ =	shalt  }
0x49: {  	_ =	shalt  }
0x4a: {  	_ =	shalt  }
0x4b: {  	_ =	shalt  }
0x4c: {  	_ =	shalt  }
0x4d: {  	_ =	shalt  }
0x4e: {  	_ =	shalt  }
0x4f: {  	_ =	shalt  }
0x50: {  	_ =	shalt  }
0x51: {  	_ =	shalt  }
0x52: {  	_ =	shalt  }
0x53: {  	_ =	shalt  }
0x54: {  	_ =	shalt  }
0x55: {  	_ =	shalt  }
0x56: {  	_ =	shalt  }
0x57: {  	_ =	shalt  }
0x58: {  	_ =	shalt  }
0x59: {  	_ =	shalt  }
0x5a: {  	_ =	shalt  }
0x5b: {  	_ =	shalt  }
0x5c: {  	_ =	shalt  }
0x5d: {  	_ =	shalt  }
0x5e: {  	_ =	shalt  }
0x5f: {  	_ =	shalt  }
0x60: {  	_ =	shalt  }
0x61: {  	_ =	shalt  }
0x62: {  	_ =	shalt  }
0x63: {  	_ =	shalt  }
0x64: {  	_ =	shalt  }
0x65: {  	_ =	shalt  }
0x66: {  	_ =	shalt  }
0x67: {  	_ =	shalt  }
0x68: {  	_ =	shalt  }
0x69: {  	_ =	shalt  }
0x6a: {  	_ =	shalt  }
0x6b: {  	_ =	shalt  }
0x6c: {  	_ =	shalt  }
0x6d: {  	_ =	shalt  }
0x6e: {  	_ =	shalt  }
0x6f: {  	_ =	shalt  }
0x70: {  	_ =	shalt  }
0x71: {  	_ =	shalt  }
0x72: {  	_ =	shalt  }
0x73: {  	_ =	shalt  }
0x74: {  	_ =	shalt  }
0x75: {  	_ =	shalt  }
0x76: {  	_ =	shalt  }
0x77: {  	_ =	shalt  }
0x78: {  	_ =	shalt  }
0x79: {  	_ =	shalt  }
0x7a: {  	_ =	shalt  }
0x7b: {  	_ =	shalt  }
0x7c: {  	_ =	shalt  }
0x7d: {  	_ =	shalt  }
0x7e: {  	_ =	shalt  }
0x7f: {  	_ =	shalt  }
0x80: {  	_ =	shalt  }
0x81: {  	_ =	shalt  }
0x82: {  	_ =	shalt  }
0x83: {  	_ =	shalt  }
0x84: {  	_ =	shalt  }
0x85: {  	_ =	shalt  }
0x86: {  	_ =	shalt  }
0x87: {  	_ =	shalt  }
.Lfunc_end0:
.L_simem_size_0:
called_computation.1_lowered:
.L_overlay_start_0:
0x88: {  	s2 =	sld [smem:$0x3FD9]  }
0x89: {  	s3 =	sld [smem:$0x3FFE];
	_ =	sdelay $0x1  }
0x8a: {  	s1 =	srdreg.scid  }
0x8b: {  	s0 =	sand.u32 $0x1, s1  }
0x8c: {  	s17 =	sshll.u32 s0, $0xA;
	s2 =	sadd.s32 s3, s2  }
0x8d: {  	s2 =	sadd.s32 s2, s17  }
0x8e: {  	[smem:$0x3FC6] =	sst s2  }
0x8f: {  	_ = 	snop  }
0x90: {  	s2 =	sld [smem:$0x3FD0];
	(tm) =	ssettm $0x1  }
0x91: {  	s18 =	sld [smem:$0x3FFB];
	_ =	sdelay $0x3  }
0x92: {  	_ =	strace s18  }
0x93: {  	s3 =	sld [smem:$0x3FFC];
	_ =	sdelay $0x3  }
0x94: {  	_ =	strace s3  }
0x95: {  	s3 =	sld [smem:$0x3FFD];
	_ =	sdelay $0x3  }
0x96: {  	_ =	strace s3  }
0x97: {  	_ =	strace $0x8FFFFFFF  }
0x98: {  	s19 =	sld [smem:$0x3FDB];
	_ =	sdelay $0x1  }
0x99: {  	s4 =	simm.s32 $_scs_section_size  }
0x9a: {  	s5 =	simm.s32 $_size__tile_overlayer_lowered;
	s6 =	simm.s32 $_tile_overlayer_lowered  }
0x9b: {  	s22 =	simm.s32 $0x1BFF;
	s21 =	sshll.u32 s6, $0x1;
	s3 =	sadd.s32 s4, s19  }
0x9c: {  	s7 =	simm.s32 $0x0;
	s20 =	sshll.u32 s5, $0x1;
	s5 =	sadd.s32 s21, s3  }
0x9d: {  	[timem:s7], [sflag:s22] =	dma.local [hbm:s5], s20  }
0x9e: {  	_ =	swait.ge [sflag:s22], s20  }
0x9f: {  	s4 =	ssub.s32 $0x0, s20;
	[sflag:s22] =	ssyncset.done $0x0  }
0xa0: {  	[sflag:s22] =	ssyncadd.s32 s4;
	_ =	sdelay $0x1  }
0xa1: {  	s23 =	simm.s32 $0x1B8B  }
0xa2: {  	_ =	swait.ge [sflag:s23], $0x1  }
0xa3: {  	[sflag:s23] =	ssyncset.done $0x0  }
0xa4: {  	s25 =	simm.s32 $0x1B8E;
	s24 =	sld [smem:$0x3FFE];
	[sflag:s23] =	ssyncadd.s32 $0xFFFFFFFF  }
0xa5: {  	s26 =	simm.s32 $execute0_lowered;
	[smem:$0x3FD2] =	sst s25  }
0xa6: {  	s5 =	sshll.u32 s26, $0x1;
	_ =	strace $0x80000046;
	[dreg:$0x1] =	wrdreg $0xFFFFFFFF  }
0xa7: {  	s28 =	simm.s32 $_size_execute0_lowered;
	s3 =	sadd.s32 s3, s5;
	[dreg:$0x0] =	wrdreg $0x0  }
0xa8: {  	s5 =	sshll.u32 s28, $0x1;
	[dreg:$0x2] =	wrdreg s3  }
0xa9: {  	[dreg:$0x3] =	wrdreg s5  }
0xaa: {  	[dreg:$0x4] =	wrdreg $0xC0  }
0xab: {  	_ =	task [dreg:s7], $0x5FFFF  }
0xac: {  	[dreg:$0x1] =	wrdreg $0xFFFFFFFF  }
0xad: {  	[dreg:$0x0] =	wrdreg $0x60  }
0xae: {  	[dreg:$0x2] =	wrdreg s2  }
0xaf: {  	[dreg:$0x3] =	wrdreg s24  }
0xb0: {  	[dreg:$0x4] =	wrdreg $0x9  }
0xb1: {  	_ =	task.clear_ibuf [dreg:s7], $0x5FFFF;
	_ =	strace $0x90000046  }
0xb2: {  	s29 =	simm.s32 $0x9;
	_ =	strace $0x80000048  }
0xb3: {  	_ =	swait.ge [sflag:s29], $0x1  }
0xb4: {  	[sflag:s29] =	ssyncadd.s32 $0xFFFFFFFF  }
0xb5: {  	_ =	strace $0x90000048  }
0xb6: {  	_ =	sfence  }
0xb7: {  	s30 =	sld [smem:$0x0];
	_ =	sdelay $0x2  }
0xb8: {  	s31 =	sshll.u32 s1, $0xD;
	s1 =	sshrl.u32 s1, $0x2  }
0xb9: {  	s3 =	sand.u32 $0x4000, s31;
	s1 =	sadd.s32 s1, s30  }
0xba: {  	s0 =	sor.u32 s3, s0;
	s1 =	sshll.u32 s1, $0x11  }
0xbb: {  	s0 =	sor.u32 s1, s0  }
0xbc: {  	s0 =	sadd.s32 $0x8F2B, s0  }
0xbd: {  	[sflag:s0] =	ssyncadd.remote.s32 $0x1  }
0xbe: {  	_ =	sfence.sel $0xFFFF  }
0xbf: {  	[dreg:$0x0] =	wrdreg $0xFFFFFFFF;
	(pc) =	sbr.abs _section_cstart, $3  }
0xc0: {  	[dreg:$0x1] =	wrdreg $0xFFFFFFFF  }
0xc1: {  	_ =	task.clear_ibuf [dreg:s7], $0x2FFFF;
	_ =	strace $0x9FFFFFFF  }
0xc2: {  	(tm) =	ssettm $0x7FFFFFFF  }
0xc3: {  	_ =	shalt  }
tec
execute0_lowered:
.L_overlay_start_1:
0x0: {  	(tag) =	ssettag $0x1  }
0x1: {  	s0 =	rddreg [dreg:$0x0]  }
0x2: {  	s1 =	rddreg [dreg:$0x1];
	s2 =	srdreg.scid  }
0x3: {  	s8 =	stileid.u32;
	s14 =	simm.s32 $0x0;
	s16 =	simm.s32 $0x380  }
0x4: {  	s17 =	simm.s32 $0x5;
	s18 =	simm.s32 $0x32;
	s13 =	simm.s32 $0x40  }
0x5: {  	s22 =	simm.s32 $0x7;
	s21 =	simm.s32 $0x12680;
	s28 =	simm.s32 $0x3  }
0x6: {  	s30 =	simm.s32 $0xB;
	s2 =	sand.u32 $0x1, s2;
	s24 =	smul.u32 $0x1C00, s8  }
0x7: {  	s3 =	sshll.u32 s8, $0xA;
	[smem:$0x7FF] =	sst s14;
	s8 =	smul.u32 $0xE0000, s8  }
0x8: {  	s9 =	sadd.s32 $0xA00, s1;
	s4 =	sshll.u32 s2, $0x9;
	s7 =	smul.u32 $0xE00, s2  }
0x9: {  	s23 =	ssub.s32 $0x2, s2;
	s2 =	smul.u32 $0x70000, s2;
	s4 =	sor.u32 s4, s3  }
0xa: {  	_ =	strace $0x80000047;
	[dreg:$0x3] =	wrdreg s9;
	s5 =	smul.u32 $0x7, s4  }
0xb: {  	s3 =	sadd.s32 $0xF42E00, s1;
	s6 =	sshrl.u32 s23, $0x1;
	s4 =	smul.u32 $0x1C00, s4  }
0xc: {  	s29 =	sadd.s32 s8, s9;
	s1 =	ssub.s32 s23, s6;
	s23 =	simm.s32 $0x2  }
0xd: {  	s1 =	smax.u32 s1, $0x1;
	s10 =	sadd.s32 s0, s5;
	s26 =	sshrl.u32 s4, $0x3  }
0xe: {  	s0 =	sadd.s32 s24, s0;
	[dreg:$0x9] =	wrdreg s1;
	s31 =	sadd.s32 $0xFFFF2000, s4  }
0xf: {  	s1 =	simm.s32 $0x0;
	s5 =	sadd.s32 $0x38, s10;
	[dreg:$0x4] =	wrdreg s10  }
0x10: {  	s25 =	sadd.s32 $0x70, s10;
	s10 =	sadd.s32 $0xA8, s10;
	[dreg:$0xa] =	wrdreg s31  }
.Ltmp0:
0x11: {  	s6 =	sadd.s32 s9, s26;
	[dreg:$0x5] =	wrdreg s5;
	(pc) =	sbr.rel .LBB2_1-.Ltmp0, $4  }
0x12: {  	s11 =	sadd.s32 s7, s0;
	s0 =	sadd.s32 s2, s29;
	[dreg:$0x6] =	wrdreg s25  }
0x13: {  	s7 =	simm.s32 $0x6;
	s9 =	simm.s32 $0x80;
	[dreg:$0x7] =	wrdreg s10  }
0x14: {  	s6 =	sadd.s32 $0x6E400, s6;
	[dreg:$0xb] =	wrdreg s0;
	s10 =	simm.s32 $0x1  }
0x15: {  	s25 =	simm.s32 $0x8;
	s0 =	simm.s32 $0xC;
	[dreg:$0x8] =	wrdreg s6  }
.LBB2_4:
0x16: {  	s1 =	simm.s32 $0x4  }
0x17: {  	_ =	swait.ge [sflag:s1], $0xC80  }
0x18: {  	[sflag:s1] =	ssyncset.done $0x0  }
0x19: {  	[sflag:s1] =	ssyncadd.s32 $0xFFFFF380  }
0x1a: {  	_ =	swait.ge [sflag:s1], $0xC80  }
0x1b: {  	[sflag:s1] =	ssyncset.done $0x0  }
0x1c: {  	[sflag:s1] =	ssyncadd.s32 $0xFFFFF380  }
0x1d: {  	_ =	swait.ge [sflag:s1], $0xC80  }
0x1e: {  	[sflag:s1] =	ssyncset.done $0x0  }
0x1f: {  	[sflag:s1] =	ssyncadd.s32 $0xFFFFF380  }
0x20: {  	_ =	swait.ge [sflag:s1], $0xC80  }
0x21: {  	[sflag:s1] =	ssyncset.done $0x0  }
0x22: {  	[sflag:s1] =	ssyncadd.s32 $0xFFFFF380  }
0x23: {  	_ =	swait.ge [sflag:s1], $0xC80  }
0x24: {  	[sflag:s1] =	ssyncset.done $0x0  }
0x25: {  	[sflag:s1] =	ssyncadd.s32 $0xFFFFF380  }
0x26: {  	_ =	swait.ge [sflag:s1], $0xC80  }
0x27: {  	[sflag:s1] =	ssyncset.done $0x0  }
0x28: {  	[sflag:s1] =	ssyncadd.s32 $0xFFFFF380  }
0x29: {  	_ =	swait.ge [sflag:s1], $0xC80  }
0x2a: {  	[sflag:s1] =	ssyncset.done $0x0  }
0x2b: {  	[sflag:s1] =	ssyncadd.s32 $0xFFFFF380  }
0x2c: {  	_ =	swait.ge [sflag:s1], $0xC80  }
0x2d: {  	[sflag:s1] =	ssyncset.done $0x0  }
0x2e: {  	s19 =	simm.s32 $0x13300;
	s6 =	rddreg [dreg:$0x8];
	[sflag:s1] =	ssyncadd.s32 $0xFFFFF380  }
0x2f: {  	[hbm4b:s6+s13] =	stream.strided.scatter [tilespmem:s19], [sflag:$0xC], $0xC80, s9, s13, $0x38;
	[tilespmem:$0x19700] =	vst v63  }
0x30: {  	s20 =	simm.s32 $0x13F80;
	s5 =	sadd.s32 $0x380, s6  }
0x31: {  	[hbm4b:s5+s13] =	stream.strided.scatter [tilespmem:s20], [sflag:$0xC], $0xC80, s9, s13, $0x38;
	[tilespmem:$0x19700] =	vst v63  }
0x32: {  	s26 =	simm.s32 $0x14C00;
	s24 =	sadd.s32 $0x700, s6  }
0x33: {  	[hbm4b:s24+s13] =	stream.strided.scatter [tilespmem:s26], [sflag:$0xC], $0xC80, s9, s13, $0x38;
	[tilespmem:$0x19700] =	vst v63  }
0x34: {  	s31 =	simm.s32 $0x15880;
	s29 =	sadd.s32 $0xA80, s6  }
0x35: {  	[hbm4b:s29+s13] =	stream.strided.scatter [tilespmem:s31], [sflag:$0xC], $0xC80, s9, s13, $0x38;
	[tilespmem:$0x19700] =	vst v63  }
0x36: {  	s2 =	simm.s32 $0x16500;
	s1 =	sadd.s32 $0xE00, s6  }
0x37: {  	[hbm4b:s1+s13] =	stream.strided.scatter [tilespmem:s2], [sflag:$0xC], $0xC80, s9, s13, $0x38;
	[tilespmem:$0x19700] =	vst v63  }
0x38: {  	s8 =	simm.s32 $0x17180;
	s4 =	sadd.s32 $0x1180, s6  }
0x39: {  	[hbm4b:s4+s13] =	stream.strided.scatter [tilespmem:s8], [sflag:$0xC], $0xC80, s9, s13, $0x38;
	[tilespmem:$0x19700] =	vst v63  }
0x3a: {  	s15 =	simm.s32 $0x17E00;
	s12 =	sadd.s32 $0x1500, s6  }
0x3b: {  	[hbm4b:s12+s13] =	stream.strided.scatter [tilespmem:s15], [sflag:$0xC], $0xC80, s9, s13, $0x38;
	[tilespmem:$0x19700] =	vst v63  }
0x3c: {  	s19 =	sadd.s32 $0x1880, s6;
	s20 =	simm.s32 $0x18A80;
	s24 =	simm.s32 $0x9  }
0x3d: {  	[hbm4b:s19+s13] =	stream.strided.scatter [tilespmem:s20], [sflag:$0xC], $0xC80, s9, s13, $0x38;
	[tilespmem:$0x19700] =	vst v63  }
0x3e: {  	_ =	swait.ge [sflag:s24], $0x6400  }
0x3f: {  	[sflag:s24] =	ssyncset.done $0x0  }
0x40: {  	s26 =	simm.s32 $0xA;
	[sflag:s24] =	ssyncadd.s32 $0xFFFF9C00  }
0x41: {  	_ =	swait.ge [sflag:s26], $0x6400  }
0x42: {  	[sflag:s26] =	ssyncset.done $0x0  }
0x43: {  	[sflag:s26] =	ssyncadd.s32 $0xFFFF9C00  }
0x44: {  	_ =	swait.ge [sflag:s30], $0x6400  }
0x45: {  	[sflag:s30] =	ssyncset.done $0x0  }
0x46: {  	[sflag:s30] =	ssyncadd.s32 $0xFFFF9C00  }
0x47: {  	_ =	swait.ge [sflag:s0], $0x6400  }
0x48: {  	s29 =	rddreg [dreg:$0xc]  }
0x49: {  	s31 =	rddreg [dreg:$0x9];
	s1 =	sadd.s32 $0x1, s29  }
0x4a: {  	p0 =	sne.s32 s1, s31  }
.Ltmp1:
0x4b: {  	_ = 	snop;
	(pc) =	sbr.rel @!p0 .LBB2_5-.Ltmp1, $3  }
0x4c: {  	_ =	sdelay $0x1  }
0x4d: {  	[sflag:s0] =	ssyncset.done $0x0  }
0x4e: {  	[sflag:s0] =	ssyncadd.s32 $0xFFFF9C00  }
.LBB2_1:
0x4f: {  	[dreg:$0xc] =	wrdreg s1  }
0x50: {  	s5 =	rddreg [dreg:$0x4]  }
0x51: {  	s24 =	rddreg [dreg:$0x5]  }
0x52: {  	s26 =	rddreg [dreg:$0x6]  }
0x53: {  	[tilespmem:s14], [sflag:$0x5] =	stream.linear.gather [hbm4b:s5+s14], $0x1C0, $0x38;
	[tilespmem:$0x19700] =	vst v63  }
0x54: {  	s6 =	simm.s32 $0x1C0;
	s29 =	rddreg [dreg:$0x7]  }
0x55: {  	[tilespmem:s6], [sflag:$0x6] =	stream.linear.gather [hbm4b:s24+s14], $0x1C0, $0x38;
	[tilespmem:$0x19700] =	vst v63  }
0x56: {  	s8 =	rddreg [dreg:$0xa]  }
0x57: {  	[tilespmem:s16], [sflag:$0x7] =	stream.linear.gather [hbm4b:s26+s14], $0x1C0, $0x38;
	[tilespmem:$0x19700] =	vst v63  }
0x58: {  	s31 =	simm.s32 $0x540;
	s12 =	simm.s32 $0x0;
	s6 =	rddreg [dreg:$0xb]  }
0x59: {  	[tilespmem:s31], [sflag:$0x8] =	stream.linear.gather [hbm4b:s29+s14], $0x1C0, $0x38;
	[tilespmem:$0x19700] =	vst v63  }
.LBB2_2:
0x5a: {  	p0 =	seq.s32 s12, $0x0  }
0x5b: {  	s5 =	simm.s32 @!p0 $0x9  }
0x5c: {  	_ =	swait.ge @!p0 [sflag:s5], $0x6400  }
0x5d: {  	[sflag:s5] =	ssyncset.done @!p0 $0x0  }
0x5e: {  	[sflag:s5] =	ssyncadd.s32 @!p0 $0xFFFF9C00  }
0x5f: {  	_ =	swait.ge [sflag:s17], $0x1C0  }
0x60: {  	[sflag:s17] =	ssyncset.done $0x0  }
0x61: {  	s1 =	simm.s32 $0x700;
	[sflag:s17] =	ssyncadd.s32 $0xFFFFFE40  }
0x62: {  	[tilespmem:s1], [sflag:$0x1] =	stream.indirect.gather [hbm4b:s3+s18], $0x40, s14, s18, $0xb8;
	[tilespmem:$0x19700] =	vst v63  }
0x63: {  	s4 =	simm.s32 $0x38;
	s26 =	simm.s32 $0x1380  }
0x64: {  	[tilespmem:s26], [sflag:$0x1] =	stream.indirect.gather [hbm4b:s3+s18], $0x40, s4, s18, $0xb8;
	[tilespmem:$0x19700] =	vst v63  }
0x65: {  	s31 =	simm.s32 $0x2000;
	s14 =	simm.s32 $0x70  }
0x66: {  	[tilespmem:s31], [sflag:$0x1] =	stream.indirect.gather [hbm4b:s3+s18], $0x40, s14, s18, $0xb8;
	[tilespmem:$0x19700] =	vst v63  }
0x67: {  	s15 =	simm.s32 $0xA8;
	s29 =	simm.s32 $0x2C80  }
0x68: {  	[tilespmem:s29], [sflag:$0x1] =	stream.indirect.gather [hbm4b:s3+s18], $0x40, s15, s18, $0xb8;
	[tilespmem:$0x19700] =	vst v63  }
0x69: {  	s16 =	simm.s32 $0xE0;
	s4 =	simm.s32 $0x3900  }
0x6a: {  	[tilespmem:s4], [sflag:$0x1] =	stream.indirect.gather [hbm4b:s3+s18], $0x40, s16, s18, $0xb8;
	[tilespmem:$0x19700] =	vst v63  }
0x6b: {  	s19 =	simm.s32 $0x118;
	s2 =	simm.s32 $0x4580  }
0x6c: {  	[tilespmem:s2], [sflag:$0x1] =	stream.indirect.gather [hbm4b:s3+s18], $0x40, s19, s18, $0xb8;
	[tilespmem:$0x19700] =	vst v63  }
0x6d: {  	s20 =	simm.s32 $0x150;
	s15 =	simm.s32 $0x5200  }
0x6e: {  	[tilespmem:s15], [sflag:$0x1] =	stream.indirect.gather [hbm4b:s3+s18], $0x40, s20, s18, $0xb8;
	[tilespmem:$0x19700] =	vst v63  }
0x6f: {  	s24 =	simm.s32 $0x188;
	s5 =	simm.s32 @!p0 $0x4;
	s19 =	simm.s32 $0x5E80  }
0x70: {  	[tilespmem:s19], [sflag:$0x1] =	stream.indirect.gather [hbm4b:s3+s18], $0x40, s24, s18, $0xb8;
	[tilespmem:$0x19700] =	vst v63  }
0x71: {  	_ =	swait.ge @!p0 [sflag:s5], $0xC80  }
0x72: {  	[sflag:s5] =	ssyncset.done @!p0 $0x0  }
0x73: {  	[sflag:s5] =	ssyncadd.s32 @!p0 $0xFFFFF380  }
0x74: {  	_ =	swait.ge @!p0 [sflag:s5], $0xC80  }
0x75: {  	[sflag:s5] =	ssyncset.done @!p0 $0x0  }
0x76: {  	[sflag:s5] =	ssyncadd.s32 @!p0 $0xFFFFF380  }
0x77: {  	_ =	swait.ge @!p0 [sflag:s5], $0xC80  }
0x78: {  	[sflag:s5] =	ssyncset.done @!p0 $0x0  }
0x79: {  	[sflag:s5] =	ssyncadd.s32 @!p0 $0xFFFFF380  }
0x7a: {  	_ =	swait.ge @!p0 [sflag:s5], $0xC80  }
0x7b: {  	[sflag:s5] =	ssyncset.done @!p0 $0x0  }
0x7c: {  	[sflag:s5] =	ssyncadd.s32 @!p0 $0xFFFFF380  }
0x7d: {  	_ =	swait.ge @!p0 [sflag:s5], $0xC80  }
0x7e: {  	[sflag:s5] =	ssyncset.done @!p0 $0x0  }
0x7f: {  	[sflag:s5] =	ssyncadd.s32 @!p0 $0xFFFFF380  }
0x80: {  	_ =	swait.ge @!p0 [sflag:s5], $0xC80  }
0x81: {  	[sflag:s5] =	ssyncset.done @!p0 $0x0  }
0x82: {  	[sflag:s5] =	ssyncadd.s32 @!p0 $0xFFFFF380  }
0x83: {  	_ =	swait.ge @!p0 [sflag:s5], $0xC80  }
0x84: {  	[sflag:s5] =	ssyncset.done @!p0 $0x0  }
0x85: {  	[sflag:s5] =	ssyncadd.s32 @!p0 $0xFFFFF380  }
0x86: {  	_ =	swait.ge @!p0 [sflag:s5], $0xC80  }
0x87: {  	s14 =	simm.s32 @!p0 $0x13300;
	[sflag:s5] =	ssyncset.done @!p0 $0x0  }
0x88: {  	s20 =	sshrl.u32 @!p0 s8, $0x3;
	[sflag:s5] =	ssyncadd.s32 @!p0 $0xFFFFF380;
	s5 =	rddreg [dreg:$0x3]  }
0x89: {  	s24 =	simm.s32 @!p0 $0x80;
	s5 =	sadd.s32 @!p0 s5, s20;
	s20 =	simm.s32 @!p0 $0x40  }
0x8a: {  	[hbm4b:s5+s20] =	stream.strided.scatter @!p0 [tilespmem:s14], [sflag:$0xC], $0xC80, s24, s20, $0x38;
	[tilespmem:$0x19700] =	vst v63  }
0x8b: {  	s16 =	simm.s32 @!p0 $0x13F80;
	s14 =	sadd.s32 @!p0 $0x380, s5  }
0x8c: {  	[hbm4b:s14+s20] =	stream.strided.scatter @!p0 [tilespmem:s16], [sflag:$0xC], $0xC80, s24, s20, $0x38;
	[tilespmem:$0x19700] =	vst v63  }
0x8d: {  	s14 =	sadd.s32 @!p0 $0x700, s5;
	s16 =	simm.s32 @!p0 $0x14C00  }
0x8e: {  	[hbm4b:s14+s20] =	stream.strided.scatter @!p0 [tilespmem:s16], [sflag:$0xC], $0xC80, s24, s20, $0x38;
	[tilespmem:$0x19700] =	vst v63  }
0x8f: {  	s14 =	sadd.s32 @!p0 $0xA80, s5;
	s16 =	simm.s32 @!p0 $0x15880  }
0x90: {  	[hbm4b:s14+s20] =	stream.strided.scatter @!p0 [tilespmem:s16], [sflag:$0xC], $0xC80, s24, s20, $0x38;
	[tilespmem:$0x19700] =	vst v63  }
0x91: {  	s14 =	sadd.s32 @!p0 $0xE00, s5;
	s16 =	simm.s32 @!p0 $0x16500  }
0x92: {  	[hbm4b:s14+s20] =	stream.strided.scatter @!p0 [tilespmem:s16], [sflag:$0xC], $0xC80, s24, s20, $0x38;
	[tilespmem:$0x19700] =	vst v63  }
0x93: {  	s14 =	sadd.s32 @!p0 $0x1180, s5;
	s16 =	simm.s32 @!p0 $0x17180  }
0x94: {  	[hbm4b:s14+s20] =	stream.strided.scatter @!p0 [tilespmem:s16], [sflag:$0xC], $0xC80, s24, s20, $0x38;
	[tilespmem:$0x19700] =	vst v63  }
0x95: {  	s14 =	sadd.s32 @!p0 $0x1500, s5;
	s16 =	simm.s32 @!p0 $0x17E00  }
0x96: {  	[hbm4b:s14+s20] =	stream.strided.scatter @!p0 [tilespmem:s16], [sflag:$0xC], $0xC80, s24, s20, $0x38;
	[tilespmem:$0x19700] =	vst v63  }
0x97: {  	s5 =	sadd.s32 @!p0 $0x1880, s5;
	s14 =	simm.s32 @!p0 $0x18A80  }
0x98: {  	[hbm4b:s5+s20] =	stream.strided.scatter @!p0 [tilespmem:s14], [sflag:$0xC], $0xC80, s24, s20, $0x38;
	[tilespmem:$0x19700] =	vst v63  }
0x99: {  	s5 =	sadd.s32 @!p0 s12, s11  }
0x9a: {  	s16 =	simm.s32 @!p0 $0x540;
	s14 =	simm.s32 @!p0 $0x0;
	s5 =	sadd.s32 @!p0 $0xA8, s5  }
0x9b: {  	[tilespmem:s16], [sflag:$0x8] =	stream.linear.gather @!p0 [hbm4b:s5+s14], $0x1C0, $0x38;
	[tilespmem:$0x19700] =	vst v63  }
0x9c: {  	s5 =	simm.s32 @!p0 $0xA  }
0x9d: {  	_ =	swait.ge @!p0 [sflag:s5], $0x6400  }
0x9e: {  	[sflag:s5] =	ssyncset.done @!p0 $0x0  }
0x9f: {  	[sflag:s5] =	ssyncadd.s32 @!p0 $0xFFFF9C00  }
0xa0: {  	_ =	swait.ge [sflag:s7], $0x1C0  }
0xa1: {  	[sflag:s7] =	ssyncset.done $0x0  }
0xa2: {  	s24 =	simm.s32 $0x6B00;
	s14 =	simm.s32 $0x1C0;
	[sflag:s7] =	ssyncadd.s32 $0xFFFFFE40  }
0xa3: {  	[tilespmem:s24], [sflag:$0x2] =	stream.indirect.gather [hbm4b:s3+s18], $0x40, s14, s18, $0xb8;
	[tilespmem:$0x19700] =	vst v63  }
0xa4: {  	s20 =	simm.s32 $0x7780;
	s16 =	simm.s32 $0x1F8  }
0xa5: {  	[tilespmem:s20], [sflag:$0x2] =	stream.indirect.gather [hbm4b:s3+s18], $0x40, s16, s18, $0xb8;
	[tilespmem:$0x19700] =	vst v63  }
0xa6: {  	s16 =	simm.s32 $0x230;
	s20 =	simm.s32 $0x8400  }
0xa7: {  	[tilespmem:s20], [sflag:$0x2] =	stream.indirect.gather [hbm4b:s3+s18], $0x40, s16, s18, $0xb8;
	[tilespmem:$0x19700] =	vst v63  }
0xa8: {  	s16 =	simm.s32 $0x268;
	s20 =	simm.s32 $0x9080  }
0xa9: {  	[tilespmem:s20], [sflag:$0x2] =	stream.indirect.gather [hbm4b:s3+s18], $0x40, s16, s18, $0xb8;
	[tilespmem:$0x19700] =	vst v63  }
0xaa: {  	s16 =	simm.s32 $0x2A0;
	s20 =	simm.s32 $0x9D00  }
0xab: {  	[tilespmem:s20], [sflag:$0x2] =	stream.indirect.gather [hbm4b:s3+s18], $0x40, s16, s18, $0xb8;
	[tilespmem:$0x19700] =	vst v63  }
0xac: {  	s16 =	simm.s32 $0x2D8;
	s20 =	simm.s32 $0xA980  }
0xad: {  	[tilespmem:s20], [sflag:$0x2] =	stream.indirect.gather [hbm4b:s3+s18], $0x40, s16, s18, $0xb8;
	[tilespmem:$0x19700] =	vst v63  }
0xae: {  	s16 =	simm.s32 $0x310;
	s20 =	simm.s32 $0xB600  }
0xaf: {  	[tilespmem:s20], [sflag:$0x2] =	stream.indirect.gather [hbm4b:s3+s18], $0x40, s16, s18, $0xb8;
	[tilespmem:$0x19700] =	vst v63  }
0xb0: {  	s16 =	simm.s32 $0x348;
	s20 =	simm.s32 $0xC280  }
0xb1: {  	[tilespmem:s20], [sflag:$0x2] =	stream.indirect.gather [hbm4b:s3+s18], $0x40, s16, s18, $0xb8;
	[tilespmem:$0x19700] =	vst v63  }
0xb2: {  	_ =	swait.ge [sflag:s10], $0xC80  }
0xb3: {  	[sflag:s10] =	ssyncset.done $0x0  }
0xb4: {  	[sflag:s10] =	ssyncadd.s32 $0xFFFFF380  }
0xb5: {  	_ =	swait.ge [sflag:s10], $0xC80  }
0xb6: {  	[sflag:s10] =	ssyncset.done $0x0  }
0xb7: {  	[sflag:s10] =	ssyncadd.s32 $0xFFFFF380  }
0xb8: {  	_ =	swait.ge [sflag:s10], $0xC80  }
0xb9: {  	[sflag:s10] =	ssyncset.done $0x0  }
0xba: {  	[sflag:s10] =	ssyncadd.s32 $0xFFFFF380  }
0xbb: {  	_ =	swait.ge [sflag:s10], $0xC80  }
0xbc: {  	[sflag:s10] =	ssyncset.done $0x0  }
0xbd: {  	[sflag:s10] =	ssyncadd.s32 $0xFFFFF380  }
0xbe: {  	_ =	swait.ge [sflag:s10], $0xC80  }
0xbf: {  	[sflag:s10] =	ssyncset.done $0x0  }
0xc0: {  	[sflag:s10] =	ssyncadd.s32 $0xFFFFF380  }
0xc1: {  	_ =	swait.ge [sflag:s10], $0xC80  }
0xc2: {  	[sflag:s10] =	ssyncset.done $0x0  }
0xc3: {  	[sflag:s10] =	ssyncadd.s32 $0xFFFFF380  }
0xc4: {  	_ =	swait.ge [sflag:s10], $0xC80  }
0xc5: {  	[sflag:s10] =	ssyncset.done $0x0  }
0xc6: {  	[sflag:s10] =	ssyncadd.s32 $0xFFFFF380  }
0xc7: {  	_ =	swait.ge [sflag:s10], $0xC80  }
0xc8: {  	[sflag:s10] =	ssyncset.done $0x0  }
0xc9: {  	[sflag:s10] =	ssyncadd.s32 $0xFFFFF380  }
0xca: {  	[hbm4b:s6+s13] =	stream.strided.scatter [tilespmem:s1], [sflag:$0x9], $0xC80, s9, s13, $0x38;
	[tilespmem:$0x19700] =	vst v63  }
0xcb: {  	s16 =	sadd.s32 $0x380, s6  }
0xcc: {  	[hbm4b:s16+s13] =	stream.strided.scatter [tilespmem:s26], [sflag:$0x9], $0xC80, s9, s13, $0x38;
	[tilespmem:$0x19700] =	vst v63  }
0xcd: {  	s20 =	sadd.s32 $0x700, s6  }
0xce: {  	[hbm4b:s20+s13] =	stream.strided.scatter [tilespmem:s31], [sflag:$0x9], $0xC80, s9, s13, $0x38;
	[tilespmem:$0x19700] =	vst v63  }
0xcf: {  	s26 =	sadd.s32 $0xA80, s6  }
0xd0: {  	[hbm4b:s26+s13] =	stream.strided.scatter [tilespmem:s29], [sflag:$0x9], $0xC80, s9, s13, $0x38;
	[tilespmem:$0x19700] =	vst v63  }
0xd1: {  	s31 =	sadd.s32 $0xE00, s6  }
0xd2: {  	[hbm4b:s31+s13] =	stream.strided.scatter [tilespmem:s4], [sflag:$0x9], $0xC80, s9, s13, $0x38;
	[tilespmem:$0x19700] =	vst v63  }
0xd3: {  	s1 =	sadd.s32 $0x1180, s6  }
0xd4: {  	[hbm4b:s1+s13] =	stream.strided.scatter [tilespmem:s2], [sflag:$0x9], $0xC80, s9, s13, $0x38;
	[tilespmem:$0x19700] =	vst v63  }
0xd5: {  	p0 =	seq.s32 s12, $0xD20;
	s4 =	sadd.s32 $0x1500, s6  }
0xd6: {  	[hbm4b:s4+s13] =	stream.strided.scatter [tilespmem:s15], [sflag:$0x9], $0xC80, s9, s13, $0x38;
	[tilespmem:$0x19700] =	vst v63  }
0xd7: {  	s5 =	sadd.s32 @!p0 s12, s11;
	p1 =	seq.s32 @!p0 s12, $0x0;
	s14 =	sadd.s32 $0x1880, s6  }
0xd8: {  	[hbm4b:s14+s13] =	stream.strided.scatter [tilespmem:s19], [sflag:$0x9], $0xC80, s9, s13, $0x38;
	[tilespmem:$0x19700] =	vst v63  }
0xd9: {  	p1 =	por p0, !p1;
	s20 =	simm.s32 @!p0 $0x0;
	s14 =	sadd.s32 @!p0 $0xE0, s5  }
0xda: {  	[tilespmem:s20], [sflag:$0x5] =	stream.linear.gather @!p0 [hbm4b:s14+s20], $0x1C0, $0x38;
	[tilespmem:$0x19700] =	vst v63  }
0xdb: {  	_ =	swait.ge @p1 [sflag:s30], $0x6400  }
0xdc: {  	[sflag:s30] =	ssyncset.done @p1 $0x0  }
0xdd: {  	[sflag:s30] =	ssyncadd.s32 @p1 $0xFFFF9C00  }
0xde: {  	_ =	swait.ge [sflag:s22], $0x1C0  }
0xdf: {  	[sflag:s22] =	ssyncset.done $0x0  }
0xe0: {  	s16 =	simm.s32 $0x380;
	s2 =	simm.s32 $0xCF00;
	[sflag:s22] =	ssyncadd.s32 $0xFFFFFE40  }
0xe1: {  	[tilespmem:s2], [sflag:$0x3] =	stream.indirect.gather [hbm4b:s3+s18], $0x40, s16, s18, $0xb8;
	[tilespmem:$0x19700] =	vst v63  }
0xe2: {  	s15 =	simm.s32 $0x3B8;
	s4 =	simm.s32 $0xDB80  }
0xe3: {  	[tilespmem:s4], [sflag:$0x3] =	stream.indirect.gather [hbm4b:s3+s18], $0x40, s15, s18, $0xb8;
	[tilespmem:$0x19700] =	vst v63  }
0xe4: {  	s19 =	simm.s32 $0x3F0;
	s15 =	simm.s32 $0xE800  }
0xe5: {  	[tilespmem:s15], [sflag:$0x3] =	stream.indirect.gather [hbm4b:s3+s18], $0x40, s19, s18, $0xb8;
	[tilespmem:$0x19700] =	vst v63  }
0xe6: {  	s26 =	simm.s32 $0x428;
	s19 =	simm.s32 $0xF480  }
0xe7: {  	[tilespmem:s19], [sflag:$0x3] =	stream.indirect.gather [hbm4b:s3+s18], $0x40, s26, s18, $0xb8;
	[tilespmem:$0x19700] =	vst v63  }
0xe8: {  	s29 =	simm.s32 $0x460;
	s26 =	simm.s32 $0x10100  }
0xe9: {  	[tilespmem:s26], [sflag:$0x3] =	stream.indirect.gather [hbm4b:s3+s18], $0x40, s29, s18, $0xb8;
	[tilespmem:$0x19700] =	vst v63  }
0xea: {  	s31 =	simm.s32 $0x498;
	s29 =	simm.s32 $0x10D80  }
0xeb: {  	[tilespmem:s29], [sflag:$0x3] =	stream.indirect.gather [hbm4b:s3+s18], $0x40, s31, s18, $0xb8;
	[tilespmem:$0x19700] =	vst v63  }
0xec: {  	s14 =	simm.s32 $0x4D0;
	s31 =	simm.s32 $0x11A00  }
0xed: {  	[tilespmem:s31], [sflag:$0x3] =	stream.indirect.gather [hbm4b:s3+s18], $0x40, s14, s18, $0xb8;
	[tilespmem:$0x19700] =	vst v63  }
0xee: {  	s14 =	simm.s32 $0x508  }
0xef: {  	[tilespmem:s21], [sflag:$0x3] =	stream.indirect.gather [hbm4b:s3+s18], $0x40, s14, s18, $0xb8;
	[tilespmem:$0x19700] =	vst v63  }
0xf0: {  	_ =	swait.ge [sflag:s23], $0xC80  }
0xf1: {  	[sflag:s23] =	ssyncset.done $0x0  }
0xf2: {  	[sflag:s23] =	ssyncadd.s32 $0xFFFFF380  }
0xf3: {  	_ =	swait.ge [sflag:s23], $0xC80  }
0xf4: {  	[sflag:s23] =	ssyncset.done $0x0  }
0xf5: {  	[sflag:s23] =	ssyncadd.s32 $0xFFFFF380  }
0xf6: {  	_ =	swait.ge [sflag:s23], $0xC80  }
0xf7: {  	[sflag:s23] =	ssyncset.done $0x0  }
0xf8: {  	[sflag:s23] =	ssyncadd.s32 $0xFFFFF380  }
0xf9: {  	_ =	swait.ge [sflag:s23], $0xC80  }
0xfa: {  	[sflag:s23] =	ssyncset.done $0x0  }
0xfb: {  	[sflag:s23] =	ssyncadd.s32 $0xFFFFF380  }
0xfc: {  	_ =	swait.ge [sflag:s23], $0xC80  }
0xfd: {  	[sflag:s23] =	ssyncset.done $0x0  }
0xfe: {  	[sflag:s23] =	ssyncadd.s32 $0xFFFFF380  }
0xff: {  	_ =	swait.ge [sflag:s23], $0xC80  }
0x100: {  	[sflag:s23] =	ssyncset.done $0x0  }
0x101: {  	[sflag:s23] =	ssyncadd.s32 $0xFFFFF380  }
0x102: {  	_ =	swait.ge [sflag:s23], $0xC80  }
0x103: {  	[sflag:s23] =	ssyncset.done $0x0  }
0x104: {  	[sflag:s23] =	ssyncadd.s32 $0xFFFFF380  }
0x105: {  	_ =	swait.ge [sflag:s23], $0xC80  }
0x106: {  	[sflag:s23] =	ssyncset.done $0x0  }
0x107: {  	s1 =	sadd.s32 $0x1C00, s6;
	[sflag:s23] =	ssyncadd.s32 $0xFFFFF380  }
0x108: {  	[hbm4b:s1+s13] =	stream.strided.scatter [tilespmem:s24], [sflag:$0xA], $0xC80, s9, s13, $0x38;
	[tilespmem:$0x19700] =	vst v63  }
0x109: {  	s1 =	sadd.s32 $0x1F80, s6;
	s24 =	simm.s32 $0x7780  }
0x10a: {  	[hbm4b:s1+s13] =	stream.strided.scatter [tilespmem:s24], [sflag:$0xA], $0xC80, s9, s13, $0x38;
	[tilespmem:$0x19700] =	vst v63  }
0x10b: {  	s1 =	sadd.s32 $0x2300, s6;
	s24 =	simm.s32 $0x8400  }
0x10c: {  	[hbm4b:s1+s13] =	stream.strided.scatter [tilespmem:s24], [sflag:$0xA], $0xC80, s9, s13, $0x38;
	[tilespmem:$0x19700] =	vst v63  }
0x10d: {  	s1 =	sadd.s32 $0x2680, s6;
	s24 =	simm.s32 $0x9080  }
0x10e: {  	[hbm4b:s1+s13] =	stream.strided.scatter [tilespmem:s24], [sflag:$0xA], $0xC80, s9, s13, $0x38;
	[tilespmem:$0x19700] =	vst v63  }
0x10f: {  	s1 =	sadd.s32 $0x2A00, s6;
	s24 =	simm.s32 $0x9D00  }
0x110: {  	[hbm4b:s1+s13] =	stream.strided.scatter [tilespmem:s24], [sflag:$0xA], $0xC80, s9, s13, $0x38;
	[tilespmem:$0x19700] =	vst v63  }
0x111: {  	s1 =	sadd.s32 $0x2D80, s6;
	s24 =	simm.s32 $0xA980  }
0x112: {  	[hbm4b:s1+s13] =	stream.strided.scatter [tilespmem:s24], [sflag:$0xA], $0xC80, s9, s13, $0x38;
	[tilespmem:$0x19700] =	vst v63  }
0x113: {  	s1 =	sadd.s32 $0x3100, s6;
	s24 =	simm.s32 $0xB600  }
0x114: {  	[hbm4b:s1+s13] =	stream.strided.scatter [tilespmem:s24], [sflag:$0xA], $0xC80, s9, s13, $0x38;
	[tilespmem:$0x19700] =	vst v63  }
0x115: {  	s1 =	sadd.s32 $0x3480, s6;
	s24 =	simm.s32 $0xC280  }
0x116: {  	[hbm4b:s1+s13] =	stream.strided.scatter [tilespmem:s24], [sflag:$0xA], $0xC80, s9, s13, $0x38;
	[tilespmem:$0x19700] =	vst v63  }
0x117: {  	s5 =	sadd.s32 @!p0 $0x118, s5;
	s14 =	simm.s32 @!p0 $0x1C0  }
0x118: {  	[tilespmem:s14], [sflag:$0x6] =	stream.linear.gather @!p0 [hbm4b:s5+s20], $0x1C0, $0x38;
	[tilespmem:$0x19700] =	vst v63  }
0x119: {  	_ =	swait.ge @p1 [sflag:s0], $0x6400  }
0x11a: {  	[sflag:s0] =	ssyncset.done @p1 $0x0  }
0x11b: {  	[sflag:s0] =	ssyncadd.s32 @p1 $0xFFFF9C00  }
0x11c: {  	_ =	swait.ge [sflag:s25], $0x1C0  }
0x11d: {  	[sflag:s25] =	ssyncset.done $0x0  }
0x11e: {  	s1 =	simm.s32 $0x540;
	s14 =	simm.s32 $0x13300;
	[sflag:s25] =	ssyncadd.s32 $0xFFFFFE40  }
0x11f: {  	[tilespmem:s14], [sflag:$0x4] =	stream.indirect.gather [hbm4b:s3+s18], $0x40, s1, s18, $0xb8;
	[tilespmem:$0x19700] =	vst v63  }
0x120: {  	s24 =	simm.s32 $0x13F80;
	s20 =	simm.s32 $0x578  }
0x121: {  	[tilespmem:s24], [sflag:$0x4] =	stream.indirect.gather [hbm4b:s3+s18], $0x40, s20, s18, $0xb8;
	[tilespmem:$0x19700] =	vst v63  }
0x122: {  	s5 =	simm.s32 $0x5B0;
	s14 =	simm.s32 $0x14C00  }
0x123: {  	[tilespmem:s14], [sflag:$0x4] =	stream.indirect.gather [hbm4b:s3+s18], $0x40, s5, s18, $0xb8;
	[tilespmem:$0x19700] =	vst v63  }
0x124: {  	s20 =	simm.s32 $0x5E8;
	s24 =	simm.s32 $0x15880  }
0x125: {  	[tilespmem:s24], [sflag:$0x4] =	stream.indirect.gather [hbm4b:s3+s18], $0x40, s20, s18, $0xb8;
	[tilespmem:$0x19700] =	vst v63  }
0x126: {  	s5 =	simm.s32 $0x620;
	s14 =	simm.s32 $0x16500  }
0x127: {  	[tilespmem:s14], [sflag:$0x4] =	stream.indirect.gather [hbm4b:s3+s18], $0x40, s5, s18, $0xb8;
	[tilespmem:$0x19700] =	vst v63  }
0x128: {  	s20 =	simm.s32 $0x658;
	s24 =	simm.s32 $0x17180  }
0x129: {  	[tilespmem:s24], [sflag:$0x4] =	stream.indirect.gather [hbm4b:s3+s18], $0x40, s20, s18, $0xb8;
	[tilespmem:$0x19700] =	vst v63  }
0x12a: {  	s5 =	simm.s32 $0x690;
	s14 =	simm.s32 $0x17E00  }
0x12b: {  	[tilespmem:s14], [sflag:$0x4] =	stream.indirect.gather [hbm4b:s3+s18], $0x40, s5, s18, $0xb8;
	[tilespmem:$0x19700] =	vst v63  }
0x12c: {  	s20 =	simm.s32 $0x6C8;
	s24 =	simm.s32 $0x18A80  }
0x12d: {  	[tilespmem:s24], [sflag:$0x4] =	stream.indirect.gather [hbm4b:s3+s18], $0x40, s20, s18, $0xb8;
	[tilespmem:$0x19700] =	vst v63  }
0x12e: {  	_ =	swait.ge [sflag:s28], $0xC80  }
0x12f: {  	[sflag:s28] =	ssyncset.done $0x0  }
0x130: {  	[sflag:s28] =	ssyncadd.s32 $0xFFFFF380  }
0x131: {  	_ =	swait.ge [sflag:s28], $0xC80  }
0x132: {  	[sflag:s28] =	ssyncset.done $0x0  }
0x133: {  	[sflag:s28] =	ssyncadd.s32 $0xFFFFF380  }
0x134: {  	_ =	swait.ge [sflag:s28], $0xC80  }
0x135: {  	[sflag:s28] =	ssyncset.done $0x0  }
0x136: {  	[sflag:s28] =	ssyncadd.s32 $0xFFFFF380  }
0x137: {  	_ =	swait.ge [sflag:s28], $0xC80  }
0x138: {  	[sflag:s28] =	ssyncset.done $0x0  }
0x139: {  	[sflag:s28] =	ssyncadd.s32 $0xFFFFF380  }
0x13a: {  	_ =	swait.ge [sflag:s28], $0xC80  }
0x13b: {  	[sflag:s28] =	ssyncset.done $0x0  }
0x13c: {  	[sflag:s28] =	ssyncadd.s32 $0xFFFFF380  }
0x13d: {  	_ =	swait.ge [sflag:s28], $0xC80  }
0x13e: {  	[sflag:s28] =	ssyncset.done $0x0  }
0x13f: {  	[sflag:s28] =	ssyncadd.s32 $0xFFFFF380  }
0x140: {  	_ =	swait.ge [sflag:s28], $0xC80  }
0x141: {  	[sflag:s28] =	ssyncset.done $0x0  }
0x142: {  	[sflag:s28] =	ssyncadd.s32 $0xFFFFF380  }
0x143: {  	_ =	swait.ge [sflag:s28], $0xC80  }
0x144: {  	[sflag:s28] =	ssyncset.done $0x0  }
0x145: {  	s1 =	sadd.s32 $0x3800, s6;
	[sflag:s28] =	ssyncadd.s32 $0xFFFFF380  }
0x146: {  	[hbm4b:s1+s13] =	stream.strided.scatter [tilespmem:s2], [sflag:$0xB], $0xC80, s9, s13, $0x38;
	[tilespmem:$0x19700] =	vst v63  }
0x147: {  	s2 =	sadd.s32 $0x3B80, s6  }
0x148: {  	[hbm4b:s2+s13] =	stream.strided.scatter [tilespmem:s4], [sflag:$0xB], $0xC80, s9, s13, $0x38;
	[tilespmem:$0x19700] =	vst v63  }
0x149: {  	s14 =	sadd.s32 $0x3F00, s6  }
0x14a: {  	[hbm4b:s14+s13] =	stream.strided.scatter [tilespmem:s15], [sflag:$0xB], $0xC80, s9, s13, $0x38;
	[tilespmem:$0x19700] =	vst v63  }
0x14b: {  	s20 =	sadd.s32 $0x4280, s6  }
0x14c: {  	[hbm4b:s20+s13] =	stream.strided.scatter [tilespmem:s19], [sflag:$0xB], $0xC80, s9, s13, $0x38;
	[tilespmem:$0x19700] =	vst v63  }
0x14d: {  	s24 =	sadd.s32 $0x4600, s6  }
0x14e: {  	[hbm4b:s24+s13] =	stream.strided.scatter [tilespmem:s26], [sflag:$0xB], $0xC80, s9, s13, $0x38;
	[tilespmem:$0x19700] =	vst v63  }
0x14f: {  	s26 =	sadd.s32 $0x4980, s6  }
0x150: {  	[hbm4b:s26+s13] =	stream.strided.scatter [tilespmem:s29], [sflag:$0xB], $0xC80, s9, s13, $0x38;
	[tilespmem:$0x19700] =	vst v63  }
.Ltmp2:
0x151: {  	_ = 	snop;
	(pc) =	sbr.rel @p0 .LBB2_4-.Ltmp2, $4  }
0x152: {  	s29 =	sadd.s32 $0x4D00, s6  }
0x153: {  	[hbm4b:s29+s13] =	stream.strided.scatter [tilespmem:s31], [sflag:$0xB], $0xC80, s9, s13, $0x38;
	[tilespmem:$0x19700] =	vst v63  }
0x154: {  	s14 =	simm.s32 $0x0;
	s31 =	sadd.s32 $0x5080, s6  }
0x155: {  	[hbm4b:s31+s13] =	stream.strided.scatter [tilespmem:s21], [sflag:$0xB], $0xC80, s9, s13, $0x38;
	[tilespmem:$0x19700] =	vst v63  }
.Ltmp3:
0x156: {  	(pc) =	sbr.rel .LBB2_2-.Ltmp3, $4  }
0x157: {  	_ = 	snop  }
0x158: {  	s5 =	sadd.s32 s12, s11;
	s12 =	sadd.s32 $0xE0, s12  }
0x159: {  	s8 =	sadd.s32 $0x38000, s8;
	s6 =	sadd.s32 $0x7000, s6;
	s5 =	sadd.s32 $0x150, s5  }
0x15a: {  	[tilespmem:s16], [sflag:$0x7] =	stream.linear.gather [hbm4b:s5+s14], $0x1C0, $0x38;
	[tilespmem:$0x19700] =	vst v63  }
.LBB2_5:
0x15b: {  	_ =	sfence.sel $0x180000  }
0x15c: {  	[bflag:$0x0] =	sbarrier.arrive $0xFFFF  }
0x15d: {  	_ =	strace $0x90000047  }
0x15e: {  	s0 =	stileid.u32;
	[bflag:$0x2] =	sbarrier.arrive $0xFFFF  }
0x15f: {  	p0 =	sne.s32 s0, $0x0;
	s0 =	rddreg [dreg:$0x2]  }
0x160: {  	s0 =	sadd.s32 @!p0 $0x100000, s0  }
0x161: {  	[sflag:s0] =	ssyncadd.tile.s32 @!p0 $0x1;
	_ =	shalt  }
.Lfunc_end2:
_tile_overlayer_lowered:
.L_overlay_start_2:
0x162: {  	(tag) =	ssettag $0x2  }
0x163: {  	s0 =	rddreg [dreg:$0x0];
	s2 =	stileid.u32  }
0x164: {  	s1 =	rddreg [dreg:$0x1];
	p0 =	sne.s32 s2, $0x0  }
0x165: {  	s3 =	rddreg [dreg:$0x2];
	[bflag:$0x3] =	sbarrier.arrive $0xFFFF;
	s2 =	simm.s32 @!p0 $0x1C0D  }
0x166: {  	[timem:s3], [sflag:s2] =	dma.local @!p0 [hbm:s0], s1  }
0x167: {  	s0 =	simm.s32 @!p0 $0xD  }
0x168: {  	_ =	swait.ge @!p0 [sflag:s0], s1  }
0x169: {  	s1 =	ssub.s32 @!p0 $0x0, s1;
	[sflag:s0] =	ssyncset.done @!p0 $0x0  }
0x16a: {  	[sflag:s0] =	ssyncadd.s32 @!p0 s1  }
0x16b: {  	[bflag:$0x3] =	sbarrier.arrive $0xFFFF  }
0x16c: {  	_ =	shalt  }

// kernel: sparse-core-data-format-call.cloned.1.call-start
scs
called_computation_lowered:
.L_overlay_start_0:
0x0: {  	s2 =	sld [smem:$0x3FD9]  }
0x1: {  	s3 =	sld [smem:$0x3FFE];
	_ =	sdelay $0x1  }
0x2: {  	s1 =	srdreg.scid  }
0x3: {  	s0 =	sand.u32 $0x1, s1  }
0x4: {  	s18 =	sshll.u32 s0, $0xA;
	s2 =	sadd.s32 s3, s2  }
0x5: {  	s2 =	sadd.s32 s2, s18  }
0x6: {  	[smem:$0x3FC6] =	sst s2  }
0x7: {  	_ = 	snop  }
0x8: {  	s2 =	sld [smem:$0x3FD0];
	(tm) =	ssettm $0x1  }
0x9: {  	s19 =	sld [smem:$0x3FFB];
	_ =	sdelay $0x3  }
0xa: {  	_ =	strace s19  }
0xb: {  	s3 =	sld [smem:$0x3FFC];
	_ =	sdelay $0x3  }
0xc: {  	_ =	strace s3  }
0xd: {  	s3 =	sld [smem:$0x3FFD];
	_ =	sdelay $0x3  }
0xe: {  	_ =	strace s3  }
0xf: {  	_ =	strace $0x8FFFFFFF  }
0x10: {  	s20 =	sld [smem:$0x3FDB];
	_ =	sdelay $0x1  }
0x11: {  	s4 =	simm.s32 $_scs_section_size  }
0x12: {  	s5 =	simm.s32 $_size__tile_overlayer_lowered;
	s6 =	simm.s32 $_tile_overlayer_lowered  }
0x13: {  	s23 =	simm.s32 $0x1BFF;
	s22 =	sshll.u32 s6, $0x1;
	s3 =	sadd.s32 s4, s20  }
0x14: {  	s7 =	simm.s32 $0x0;
	s21 =	sshll.u32 s5, $0x1;
	s5 =	sadd.s32 s22, s3  }
0x15: {  	[timem:s7], [sflag:s23] =	dma.local [hbm:s5], s21  }
0x16: {  	_ =	swait.ge [sflag:s23], s21  }
0x17: {  	s4 =	ssub.s32 $0x0, s21;
	[sflag:s23] =	ssyncset.done $0x0  }
0x18: {  	[sflag:s23] =	ssyncadd.s32 s4;
	_ =	sdelay $0x1  }
0x19: {  	s24 =	simm.s32 $0x1B8B  }
0x1a: {  	_ =	swait.ge [sflag:s24], $0x1  }
0x1b: {  	[sflag:s24] =	ssyncset.done $0x0  }
0x1c: {  	s26 =	simm.s32 $0x1B8E;
	s25 =	sld [smem:$0x3FFE];
	[sflag:s24] =	ssyncadd.s32 $0xFFFFFFFF  }
0x1d: {  	s27 =	simm.s32 $execute0_lowered;
	[smem:$0x3FD2] =	sst s26  }
0x1e: {  	s5 =	sshll.u32 s27, $0x1;
	_ =	strace $0x80000049;
	[dreg:$0x1] =	wrdreg $0xFFFFFFFF  }
0x1f: {  	s28 =	simm.s32 $_size_execute0_lowered;
	s3 =	sadd.s32 s3, s5;
	[dreg:$0x0] =	wrdreg $0x0  }
0x20: {  	s5 =	sshll.u32 s28, $0x1;
	[dreg:$0x2] =	wrdreg s3  }
0x21: {  	[dreg:$0x3] =	wrdreg s5  }
0x22: {  	[dreg:$0x4] =	wrdreg $0xC0  }
0x23: {  	_ =	task [dreg:s7], $0x5FFFF  }
0x24: {  	[dreg:$0x1] =	wrdreg $0xFFFFFFFF  }
0x25: {  	[dreg:$0x0] =	wrdreg $0x60  }
0x26: {  	[dreg:$0x2] =	wrdreg s25  }
0x27: {  	[dreg:$0x3] =	wrdreg s2  }
0x28: {  	[dreg:$0x4] =	wrdreg $0x9  }
0x29: {  	_ =	task.clear_ibuf [dreg:s7], $0x5FFFF;
	_ =	strace $0x90000049  }
0x2a: {  	s29 =	simm.s32 $0x9;
	_ =	strace $0x8000004B  }
0x2b: {  	_ =	swait.ge [sflag:s29], $0x1  }
0x2c: {  	[sflag:s29] =	ssyncadd.s32 $0xFFFFFFFF  }
0x2d: {  	_ =	strace $0x9000004B  }
0x2e: {  	_ =	sfence  }
0x2f: {  	s30 =	sld [smem:$0x0];
	_ =	sdelay $0x2  }
0x30: {  	s31 =	sshll.u32 s1, $0xD;
	s1 =	sshrl.u32 s1, $0x2  }
0x31: {  	s3 =	sand.u32 $0x4000, s31;
	s1 =	sadd.s32 s1, s30  }
0x32: {  	s0 =	sor.u32 s3, s0;
	s1 =	sshll.u32 s1, $0x11  }
0x33: {  	s0 =	sor.u32 s1, s0  }
0x34: {  	s0 =	sadd.s32 $0x8F2B, s0  }
0x35: {  	[sflag:s0] =	ssyncadd.remote.s32 $0x1  }
0x36: {  	_ =	sfence.sel $0xFFFF  }
0x37: {  	[dreg:$0x0] =	wrdreg $0xFFFFFFFF;
	(pc) =	sbr.abs _section_cstart, $3  }
0x38: {  	[dreg:$0x1] =	wrdreg $0xFFFFFFFF  }
0x39: {  	_ =	task.clear_ibuf [dreg:s7], $0x2FFFF;
	_ =	strace $0x9FFFFFFF  }
0x3a: {  	(tm) =	ssettm $0x7FFFFFFF  }
0x3b: {  	_ =	shalt  }
tec
execute0_lowered:
.L_overlay_start_1:
0x0: {  	(tag) =	ssettag $0x1  }
0x1: {  	s0 =	srdreg.scid  }
0x2: {  	s1 =	sshll.u32 s0, $0x4  }
0x3: {  	s0 =	stileid.u32;
	s1 =	sand.u32 $0x10, s1  }
0x4: {  	s1 =	sor.u32 s0, s1  }
0x5: {  	s6 =	rddreg [dreg:$0x0];
	s4 =	simm.s32 $0x1;
	s2 =	sshll.u32 s1, $0x7  }
0x6: {  	s7 =	simm.s32 $0x2;
	s12 =	simm.s32 $0x0;
	s1 =	ssub.s32 $0x4000, s2  }
0x7: {  	s8 =	simm.s32 $0x20000;
	s13 =	simm.s32 $0x0;
	s3 =	sand.u32 $0xF80, s1  }
0x8: {  	s9 =	simm.s32 $0x0;
	s5 =	sshrl.u32 s1, $0xC;
	p0 =	sne.s32 s3, $0x0  }
.Ltmp0:
0x9: {  	s1 =	rddreg [dreg:$0x2];
	s4 =	simm.s32 @!p0 $0x0;
	(pc) =	sbr.rel .LBB1_1-.Ltmp0, $4  }
0xa: {  	s11 =	simm.s32 $0x0;
	s3 =	rddreg [dreg:$0x1];
	s5 =	sadd.s32 s4, s5  }
0xb: {  	_ =	strace $0x8000004A;
	s4 =	simm.s32 $0x1;
	s5 =	smul.u32 $0x32, s5  }
0xc: {  	s6 =	sadd.s32 $0xA00, s6;
	s10 =	smov.u32 s2;
	[sflag:s4] =	ssyncpa.u1 $0x0  }
0xd: {  	p0 =	por $0x0, $0x0;
	[sflag:s7] =	ssyncpa.u1 $0x0;
	s7 =	sor.u32 $0x1, s5  }
.LBB1_4:
0xe: {  	s16 =	sshll.u32 s13, $0x3;
	s17 =	sand.u32 $0x78, s13  }
0xf: {  	s30 =	sand.u32 $0x1F800, s13;
	s12 =	sshll.u32 s12, $0x11;
	s16 =	sand.u32 $0x3C00, s16  }
0x10: {  	[tilespmem:s15+$0x810 ss:$0x81] =	vst.msk $0xffff, v2;
	s31 =	sand.u32 $0x7, s13;
	s16 =	sor.u32 s17, s16;
	s17 =	sadd.s32 s3, s30  }
0x11: {  	[tilespmem:s15+$0x1020 ss:$0x81] =	vst.msk $0xffff, v0;
	s13 =	sshll.u32 s31, $0x12;
	s12 =	sadd.s32 s12, s17;
	s16 =	sshrl.u32 s16, $0x3  }
0x12: {  	[tilespmem:s15+$0x0 ss:$0x81] =	vst.msk $0xffff, v1;
	s13 =	sor.u32 $0x400, s13;
	s12 =	sadd.s32 s16, s12  }
0x13: {  	[hbm4b:s12+s13] =	stream.strided.scatter [tilespmem:s14], [sflag:$0x2], $0x2000, s8, s13, $0x20;
	[tilespmem:$0x8080] =	vst v63  }
.LBB1_5:
0x14: {  	s14 =	sadd.s32 $0x1, s9  }
0x15: {  	s12 =	sadd.s32 $0x1000, s10;
	s16 =	smov.u32 s10;
	p2 =	sgt.s32 s14, $0x31  }
0x16: {  	s16 =	smov.u32 @p2 s12  }
0x17: {  	s14 =	simm.s32 @p2 $0x0;
	p2 =	sgt.s32 s16, $0x3FFF  }
0x18: {  	s16 =	smov.u32 @p2 s2;
	p2 =	sne.s32 s11, s7  }
.Ltmp1:
0x19: {  	p1 =	slt.u32 s11, $0x2;
	(pc) =	sbr.rel @!p2 .LBB1_6-.Ltmp1, $4  }
0x1a: {  	s15 =	simm.s32 @!p1 $0x2  }
0x1b: {  	s13 =	smov.u32 s10;
	p0 =	por !p0, !p0;
	_ =	swait.ge @!p1 [sflag:s15], $0x2000  }
0x1c: {  	s12 =	smov.u32 s9;
	[sflag:s15] =	ssyncset.done @!p1 $0x0;
	s9 =	smov.u32 s14  }
0x1d: {  	s11 =	sadd.s32 $0x1, s11;
	[sflag:s15] =	ssyncadd.s32 @!p1 $0xFFFFE000;
	s10 =	smov.u32 s16  }
.LBB1_1:
0x1e: {  	p1 =	sge.u32 s11, s5  }
0x1f: {  	s14 =	sand.u32 @!p1 $0x1FFFFFF, s9  }
0x20: {  	s15 =	smulhi.u32 @!p1 $0x4924925, s14;
	_ =	sdelay $0x1  }
0x21: {  	s15 =	smul.u32 @!p1 $0x38, s15  }
0x22: {  	s16 =	sxor.u32 @!p1 $0xFFFFFFFF, s11;
	s17 =	smul.u32 @!p1 $0x380, s10  }
0x23: {  	s31 =	sadd.s32 $0xFFFFFFFF, s11;
	s16 =	sshll.u32 @!p1 s16, $0xD;
	s14 =	ssub.s32 @!p1 s14, s15  }
0x24: {  	s15 =	sand.u32 @!p1 $0x2000, s16;
	s16 =	sadd.s32 @!p1 s6, s17;
	s14 =	sshll.u32 @!p1 s14, $0x4  }
0x25: {  	s17 =	simm.s32 @!p1 $0x1C00;
	s14 =	sadd.s32 @!p1 s14, s16;
	s16 =	simm.s32 @!p1 $0x40  }
0x26: {  	[tilespmem:s15], [sflag:$0x1] =	stream.strided.gather @!p1 [hbm4b:s14+s16], $0x2000, s17, s16, $0x38;
	[tilespmem:$0x8080] =	vst v63  }
0x27: {  	p1 =	sge.u32 s31, s5  }
.Ltmp2:
0x28: {  	_ = 	snop;
	(pc) =	sbr.rel @p1 .LBB1_5-.Ltmp2, $1  }
0x29: {  	_ =	sdelay $0x3  }
0x2a: {  	s14 =	simm.s32 $0x1  }
0x2b: {  	_ =	swait.ge [sflag:s4], $0x2000;
	s14 =	simm.s32 @!p0 $0x0  }
0x2c: {  	[sflag:s4] =	ssyncset.done $0x0;
	s15 =	sshll.u32 s14, $0xD  }
0x2d: {  	[sflag:s4] =	ssyncadd.s32 $0xFFFFE000;
	s18 =	sor.u32 $0x20, s15  }
0x2e: {  	s14 =	smul.u32 $0x8100, s14;
	v3 =	vld [tilespmem:s18+$0x10]  }
0x2f: {  	s30 =	sand.u32 $0x1, s11;
	v2 =	vld [tilespmem:s18+$0xFFFFFFF0]  }
0x30: {  	s15 =	smul.u32 $0x8100, s30;
	s14 =	sshrl.u32 s14, $0x2;
	v0 =	vld [tilespmem:s18+$0x0]  }
0x31: {  	v1 =	vld [tilespmem:s18+$0xFFFFFFE0];
	s16 =	sor.u32 $0x4000, s14  }
0x32: {  	s31 =	sshrl.u32 s15, $0x2;
	s15 =	sadd.s32 $0x0, s16  }
0x33: {  	s17 =	simm.s32 $0x4;
	s18 =	sadd.s32 $0x40, s18;
	s14 =	sor.u32 $0x4000, s31;
	[tilespmem:s15+$0x1830 ss:$0x81] =	vst.msk $0xffff, v3  }
.LBB1_3:
0x34: {  	v3 =	vld [tilespmem:s18+$0x10];
	p1 =	sne.s32 s17, $0x1FC;
	[tilespmem:s15+$0x810 ss:$0x81] =	vst.msk $0xffff, v2;
	s19 =	smov.u32 s17;
	s17 =	sadd.s32 $0x4, s17  }
.Ltmp3:
0x35: {  	v2 =	vld [tilespmem:s18+$0xFFFFFFF0];
	[tilespmem:s15+$0x1020 ss:$0x81] =	vst.msk $0xffff, v0;
	(pc) =	sbr.rel @p1 .LBB1_3-.Ltmp3, $4  }
0x36: {  	v0 =	vld [tilespmem:s18+$0x0];
	[tilespmem:s15+$0x0 ss:$0x81] =	vst.msk $0xffff, v1  }
0x37: {  	s15 =	sshra.s32 s19, $0x2;
	v1 =	vld [tilespmem:s18+$0xFFFFFFE0]  }
0x38: {  	s15 =	sadd.s32 s15, s16  }
0x39: {  	s18 =	sadd.s32 $0x40, s18;
	[tilespmem:s15+$0x1830 ss:$0x81] =	vst.msk $0xffff, v3  }
.Ltmp4:
0x3a: {  	_ = 	snop;
	(pc) =	sbr.rel .LBB1_4-.Ltmp4, $1  }
0x3b: {  	_ =	sdelay $0x3  }
.LBB1_6:
0x3c: {  	_ =	sfence.sel $0x180000  }
0x3d: {  	s2 =	simm.s32 $0x1;
	[bflag:$0x0] =	sbarrier.arrive $0xFFFF  }
0x3e: {  	s31 =	simm.s32 $0x2;
	[sflag:s2] =	ssyncpa.u1 $0x1  }
0x3f: {  	[sflag:s31] =	ssyncpa.u1 $0x1  }
0x40: {  	p0 =	sne.s32 s0, $0x0;
	_ =	strace $0x9000004A  }
0x41: {  	s0 =	sadd.s32 @!p0 $0x100000, s1;
	[bflag:$0x2] =	sbarrier.arrive $0xFFFF  }
0x42: {  	[sflag:s0] =	ssyncadd.tile.s32 @!p0 $0x1;
	_ =	shalt  }
.Lfunc_end1:
_tile_overlayer_lowered:
.L_overlay_start_2:
0x43: {  	(tag) =	ssettag $0x2  }
0x44: {  	s0 =	rddreg [dreg:$0x0];
	s2 =	stileid.u32  }
0x45: {  	s1 =	rddreg [dreg:$0x1];
	p0 =	sne.s32 s2, $0x0  }
0x46: {  	s3 =	rddreg [dreg:$0x2];
	[bflag:$0x3] =	sbarrier.arrive $0xFFFF;
	s2 =	simm.s32 @!p0 $0x1C01  }
0x47: {  	[timem:s3], [sflag:s2] =	dma.local @!p0 [hbm:s0], s1  }
0x48: {  	s0 =	simm.s32 @!p0 $0x1  }
0x49: {  	_ =	swait.ge @!p0 [sflag:s0], s1  }
0x4a: {  	s1 =	ssub.s32 @!p0 $0x0, s1;
	[sflag:s0] =	ssyncset.done @!p0 $0x0  }
0x4b: {  	[sflag:s0] =	ssyncadd.s32 @!p0 s1  }
0x4c: {  	[bflag:$0x3] =	sbarrier.arrive $0xFFFF  }
0x4d: {  	_ =	shalt  }

</sc_bundles>
